<compile_context>
chip_gen: v7x
topology: tpu7x:2x2x1
jax: 0.10.2.dev20260603
libtpu: 0.0.44.dev20260713+nightly
codegen_flags: <defaults>
</compile_context>

<pallas_src>
import jax
import jax.numpy as jnp
from jax import lax
from jax.experimental import pallas as pl
from jax.experimental.pallas import tpu as pltpu
from jax.experimental.pallas import tpu_sc as plsc

B = 16384
F = 64
NC = 2
NS = 16
NW = NC * NS
BPW = B // NW
L = 16
GROUPS = BPW // L


def _mf_kernel(uid_hbm, iid_hbm, ut_hbm, it_hbm, ub_hbm, ib_hbm, gb_hbm,
               out_hbm,
               uid_v, iid_v, urows_v, irows_v, ubias_v, ibias_v, out_v,
               gb_v, sem):
    wid = lax.axis_index("s") * NC + lax.axis_index("c")
    base = wid * BPW

    pltpu.sync_copy(uid_hbm.at[pl.ds(base, BPW)], uid_v)
    pltpu.sync_copy(iid_hbm.at[pl.ds(base, BPW)], iid_v)

    cp_u = pltpu.async_copy(ut_hbm.at[uid_v], urows_v, sem)
    cp_i = pltpu.async_copy(it_hbm.at[iid_v], irows_v, sem)
    cp_ub = pltpu.async_copy(ub_hbm.at[0].at[uid_v], ubias_v, sem)
    cp_ib = pltpu.async_copy(ib_hbm.at[0].at[iid_v], ibias_v, sem)

    pltpu.sync_copy(gb_hbm, gb_v)

    cp_u.wait()
    cp_i.wait()
    cp_ub.wait()
    cp_ib.wait()

    gb = gb_v[...]

    def group_body(g, _):
        row_idx = lax.iota(jnp.int32, L) + g * L
        acc = jnp.zeros((L,), jnp.float32)
        for f in range(F):
            col = jnp.full((L,), f, jnp.int32)
            u = plsc.load_gather(urows_v, [row_idx, col])
            v = plsc.load_gather(irows_v, [row_idx, col])
            acc = acc + u * v
        x = (acc + ubias_v[pl.ds(g * L, L)] + ibias_v[pl.ds(g * L, L)] + gb)
        p = 1.0 / (1.0 + jnp.exp(-x))
        out_v[pl.ds(g * L, L)] = p
        return 0

    lax.fori_loop(0, GROUPS, group_body, 0)

    pltpu.sync_copy(out_v, out_hbm.at[pl.ds(base, BPW)])


@jax.jit
def kernel(user_id, item_id, user_table, item_table, user_bias, item_bias,
           global_bias):
    mesh = plsc.VectorSubcoreMesh(core_axis_name="c", subcore_axis_name="s")
    run = pl.kernel(
        _mf_kernel,
        mesh=mesh,
        compiler_params=pltpu.CompilerParams(
            needs_layout_passes=False, use_tc_tiling_on_sc=False),
        out_type=jax.ShapeDtypeStruct((B,), jnp.float32),
        scratch_types=[
            pltpu.VMEM((BPW,), jnp.int32),
            pltpu.VMEM((BPW,), jnp.int32),
            pltpu.VMEM((BPW, F), jnp.float32),
            pltpu.VMEM((BPW, F), jnp.float32),
            pltpu.VMEM((BPW,), jnp.float32),
            pltpu.VMEM((BPW,), jnp.float32),
            pltpu.VMEM((BPW,), jnp.float32),
            pltpu.VMEM((L,), jnp.float32),
            pltpu.SemaphoreType.DMA,
        ],
    )
    return run(user_id.astype(jnp.int32), item_id.astype(jnp.int32),
               user_table, item_table,
               user_bias.T, item_bias.T,
               jnp.broadcast_to(global_bias, (L,)))

# --- scband reference (transcript-rebuilt; emitter-appended) ---
"""Pipeline reference for scband-matrix-factorization-2989297238487 (READ-ONLY COPY).

The authoritative reference and input builder live on the scoring server;
editing this copy changes nothing except your own understanding.
"""

import jax, jax.numpy as jnp
import numpy as np

N_USERS = 1000000
N_ITEMS = 1000000
N_FACTORS = 64
BATCH = 16384


def setup_inputs(seed: int = 0) -> dict:
    key = jax.random.key(seed)
    k1, k2, k3, k4 = jax.random.split(key, 4)
    user_id = jax.random.randint(k1, (BATCH,), 0, N_USERS, dtype=jnp.int64) if jax.config.jax_enable_x64 else jax.random.randint(k1, (BATCH,), 0, N_USERS, dtype=jnp.int32)
    item_id = jax.random.randint(k2, (BATCH,), 0, N_ITEMS, dtype=jnp.int32)
    user_table = jax.random.normal(k3, (N_USERS, N_FACTORS), dtype=jnp.float32) * 0.1
    item_table = jax.random.normal(k4, (N_ITEMS, N_FACTORS), dtype=jnp.float32) * 0.1
    user_bias = jnp.zeros((N_USERS, 1), dtype=jnp.float32)
    item_bias = jnp.zeros((N_ITEMS, 1), dtype=jnp.float32)
    global_bias = jnp.zeros((1,), dtype=jnp.float32)
    return {
        'user_id': user_id,
        'item_id': item_id,
        'user_table': user_table,
        'item_table': item_table,
        'user_bias': user_bias,
        'item_bias': item_bias,
        'global_bias': global_bias,
    }


def reference(user_id, item_id, user_table, item_table, user_bias, item_bias, global_bias):
    # embedding lookups (gathers)
    user_embed = jnp.take(user_table, user_id, axis=0)   # [B, F]
    item_embed = jnp.take(item_table, item_id, axis=0)   # [B, F]
    # dropout is identity in eval/inference mode
    user_b = jnp.take(user_bias, user_id, axis=0).squeeze(-1)  # [B]
    item_b = jnp.take(item_bias, item_id, axis=0).squeeze(-1)  # [B]
    dot_product = jnp.sum(user_embed * item_embed, axis=1)     # [B]
    prediction = dot_product + user_b + item_b + global_bias[0]
    prediction = jax.nn.sigmoid(prediction)
    return prediction

if __name__ == "__main__":
    import jax
    _d = setup_inputs()
    print(jax.jit(kernel)(*tuple(_d.values())))

</pallas_src>

<mosaic_0001>
#map = affine_map<(d0, d1) -> (0)>
#map1 = affine_map<(d0, d1) -> (0, 0)>
module attributes {stable_mosaic.version = 14 : i64} {
  func.func @_mf_kernel(%arg0: i32, %arg1: i32, %arg2: memref<16384xi32, #tpu.memory_space<hbm>>, %arg3: memref<16384xi32, #tpu.memory_space<hbm>>, %arg4: memref<1000000x64xf32, #tpu.memory_space<hbm>>, %arg5: memref<1000000x64xf32, #tpu.memory_space<hbm>>, %arg6: memref<1x1000000xf32, #tpu.memory_space<hbm>>, %arg7: memref<1x1000000xf32, #tpu.memory_space<hbm>>, %arg8: memref<16xf32, #tpu.memory_space<hbm>>, %arg9: memref<16384xf32, #tpu.memory_space<hbm>>, %arg10: memref<512xi32, #tpu.memory_space<vmem>>, %arg11: memref<512xi32, #tpu.memory_space<vmem>>, %arg12: memref<512x64xf32, #tpu.memory_space<vmem>>, %arg13: memref<512x64xf32, #tpu.memory_space<vmem>>, %arg14: memref<512xf32, #tpu.memory_space<vmem>>, %arg15: memref<512xf32, #tpu.memory_space<vmem>>, %arg16: memref<512xf32, #tpu.memory_space<vmem>>, %arg17: memref<16xf32, #tpu.memory_space<vmem>>, %arg18: memref<!tpu.dma_semaphore, #tpu.memory_space<semaphore_mem>>) attributes {dimension_semantics = [#tpu.dimension_semantics<core_parallel>, #tpu.dimension_semantics<subcore_parallel>], iteration_bounds = array<i64: 2, 16>, scalar_prefetch = 0 : i64, scratch_operands = 9 : i64, tpu.core_type = #tpu.core_type<sc_vector_subcore>, window_params = [{transform_indices = #map}, {transform_indices = #map}, {transform_indices = #map1}, {transform_indices = #map1}, {transform_indices = #map1}, {transform_indices = #map1}, {transform_indices = #map}, {transform_indices = #map}]} {
    %mul3A = arith.constant 2 : i32
    %mul3A_0 = arith.muli %arg1, %mul3A : i32
    %add3A = arith.addi %mul3A_0, %arg0 : i32
    %mul3A_1 = arith.constant 512 : i32
    %mul3A_2 = arith.muli %add3A, %mul3A_1 : i32
    "tpu.region"() ({
      %run_scoped3A = tpu.sem_alloc : memref<!tpu.dma_semaphore, #tpu.memory_space<semaphore_mem>>
      %dma_start3A_44 = tpu.memref_slice %arg2[%mul3A_2] : memref<16384xi32, #tpu.memory_space<hbm>> -> memref<512xi32, #tpu.memory_space<hbm>>
      %dma_start3A_45 = tpu.memref_slice %arg2[%mul3A_2] : memref<16384xi32, #tpu.memory_space<hbm>> -> memref<512xi32, #tpu.memory_space<hbm>>
      tpu.enqueue_dma source(%dma_start3A_45 : memref<512xi32, #tpu.memory_space<hbm>>) target(%arg10 : memref<512xi32, #tpu.memory_space<vmem>>) target_semaphore(%run_scoped3A : memref<!tpu.dma_semaphore, #tpu.memory_space<semaphore_mem>>)
      %dma_wait3A_46 = tpu.memref_slice %arg2[%mul3A_2] : memref<16384xi32, #tpu.memory_space<hbm>> -> memref<512xi32, #tpu.memory_space<hbm>>
      %dma_wait3A_47 = tpu.memref_slice %arg2[%mul3A_2] : memref<16384xi32, #tpu.memory_space<hbm>> -> memref<512xi32, #tpu.memory_space<hbm>>
      tpu.wait_dma2 semaphore(%run_scoped3A : memref<!tpu.dma_semaphore, #tpu.memory_space<semaphore_mem>>) src(%dma_wait3A_47 : memref<512xi32, #tpu.memory_space<hbm>>) dst(%arg10 : memref<512xi32, #tpu.memory_space<vmem>>)
      tpu.yield
    }) : () -> ()
    "tpu.region"() ({
      %run_scoped3A = tpu.sem_alloc : memref<!tpu.dma_semaphore, #tpu.memory_space<semaphore_mem>>
      %dma_start3A_44 = tpu.memref_slice %arg3[%mul3A_2] : memref<16384xi32, #tpu.memory_space<hbm>> -> memref<512xi32, #tpu.memory_space<hbm>>
      %dma_start3A_45 = tpu.memref_slice %arg3[%mul3A_2] : memref<16384xi32, #tpu.memory_space<hbm>> -> memref<512xi32, #tpu.memory_space<hbm>>
      tpu.enqueue_dma source(%dma_start3A_45 : memref<512xi32, #tpu.memory_space<hbm>>) target(%arg11 : memref<512xi32, #tpu.memory_space<vmem>>) target_semaphore(%run_scoped3A : memref<!tpu.dma_semaphore, #tpu.memory_space<semaphore_mem>>)
      %dma_wait3A_46 = tpu.memref_slice %arg3[%mul3A_2] : memref<16384xi32, #tpu.memory_space<hbm>> -> memref<512xi32, #tpu.memory_space<hbm>>
      %dma_wait3A_47 = tpu.memref_slice %arg3[%mul3A_2] : memref<16384xi32, #tpu.memory_space<hbm>> -> memref<512xi32, #tpu.memory_space<hbm>>
      tpu.wait_dma2 semaphore(%run_scoped3A : memref<!tpu.dma_semaphore, #tpu.memory_space<semaphore_mem>>) src(%dma_wait3A_47 : memref<512xi32, #tpu.memory_space<hbm>>) dst(%arg11 : memref<512xi32, #tpu.memory_space<vmem>>)
      tpu.yield
    }) : () -> ()
    %dma_start3A = arith.constant 0 : i32
    %dma_start3A_3 = arith.constant 0 : i32
    %dma_start3A_4 = tpu.memref_slice %arg4[%dma_start3A, %dma_start3A_3] : memref<1000000x64xf32, #tpu.memory_space<hbm>> -> memref<1000000x64xf32, #tpu.memory_space<hbm>>
    tpu.enqueue_indirect_dma source(%dma_start3A_4 : memref<1000000x64xf32, #tpu.memory_space<hbm>>) target(%arg12 : memref<512x64xf32, #tpu.memory_space<vmem>>) offsets(%arg10 : memref<512xi32, #tpu.memory_space<vmem>>) semaphore(%arg18 : memref<!tpu.dma_semaphore, #tpu.memory_space<semaphore_mem>>)
    %dma_start3A_5 = arith.constant 0 : i32
    %dma_start3A_6 = arith.constant 0 : i32
    %dma_start3A_7 = tpu.memref_slice %arg5[%dma_start3A_5, %dma_start3A_6] : memref<1000000x64xf32, #tpu.memory_space<hbm>> -> memref<1000000x64xf32, #tpu.memory_space<hbm>>
    tpu.enqueue_indirect_dma source(%dma_start3A_7 : memref<1000000x64xf32, #tpu.memory_space<hbm>>) target(%arg13 : memref<512x64xf32, #tpu.memory_space<vmem>>) offsets(%arg11 : memref<512xi32, #tpu.memory_space<vmem>>) semaphore(%arg18 : memref<!tpu.dma_semaphore, #tpu.memory_space<semaphore_mem>>)
    %dma_start3A_8 = arith.constant 0 : i32
    %dma_start3A_9 = arith.constant 0 : i32
    %dma_start3A_10 = tpu.memref_slice %arg6[%dma_start3A_8, %dma_start3A_9] : memref<1x1000000xf32, #tpu.memory_space<hbm>> -> memref<1x1000000xf32, #tpu.memory_space<hbm>>
    %dma_start3A_11 = tpu.memref_squeeze %dma_start3A_10 : memref<1x1000000xf32, #tpu.memory_space<hbm>> -> memref<1000000xf32, #tpu.memory_space<hbm>>
    %dma_start3A_12 = arith.constant 0 : i32
    %dma_start3A_13 = tpu.memref_slice %dma_start3A_11[%dma_start3A_12] : memref<1000000xf32, #tpu.memory_space<hbm>> -> memref<1000000xf32, #tpu.memory_space<hbm>>
    tpu.enqueue_indirect_dma source(%dma_start3A_13 : memref<1000000xf32, #tpu.memory_space<hbm>>) target(%arg14 : memref<512xf32, #tpu.memory_space<vmem>>) offsets(%arg10 : memref<512xi32, #tpu.memory_space<vmem>>) semaphore(%arg18 : memref<!tpu.dma_semaphore, #tpu.memory_space<semaphore_mem>>)
    %dma_start3A_14 = arith.constant 0 : i32
    %dma_start3A_15 = arith.constant 0 : i32
    %dma_start3A_16 = tpu.memref_slice %arg7[%dma_start3A_14, %dma_start3A_15] : memref<1x1000000xf32, #tpu.memory_space<hbm>> -> memref<1x1000000xf32, #tpu.memory_space<hbm>>
    %dma_start3A_17 = tpu.memref_squeeze %dma_start3A_16 : memref<1x1000000xf32, #tpu.memory_space<hbm>> -> memref<1000000xf32, #tpu.memory_space<hbm>>
    %dma_start3A_18 = arith.constant 0 : i32
    %dma_start3A_19 = tpu.memref_slice %dma_start3A_17[%dma_start3A_18] : memref<1000000xf32, #tpu.memory_space<hbm>> -> memref<1000000xf32, #tpu.memory_space<hbm>>
    tpu.enqueue_indirect_dma source(%dma_start3A_19 : memref<1000000xf32, #tpu.memory_space<hbm>>) target(%arg15 : memref<512xf32, #tpu.memory_space<vmem>>) offsets(%arg11 : memref<512xi32, #tpu.memory_space<vmem>>) semaphore(%arg18 : memref<!tpu.dma_semaphore, #tpu.memory_space<semaphore_mem>>)
    "tpu.region"() ({
      %run_scoped3A = tpu.sem_alloc : memref<!tpu.dma_semaphore, #tpu.memory_space<semaphore_mem>>
      tpu.enqueue_dma source(%arg8 : memref<16xf32, #tpu.memory_space<hbm>>) target(%arg17 : memref<16xf32, #tpu.memory_space<vmem>>) target_semaphore(%run_scoped3A : memref<!tpu.dma_semaphore, #tpu.memory_space<semaphore_mem>>)
      tpu.wait_dma2 semaphore(%run_scoped3A : memref<!tpu.dma_semaphore, #tpu.memory_space<semaphore_mem>>) src(%arg8 : memref<16xf32, #tpu.memory_space<hbm>>) dst(%arg17 : memref<16xf32, #tpu.memory_space<vmem>>)
      tpu.yield
    }) : () -> ()
    %dma_wait3A = arith.constant 0 : i32
    %dma_wait3A_20 = arith.constant 0 : i32
    %dma_wait3A_21 = tpu.memref_slice %arg4[%dma_wait3A, %dma_wait3A_20] : memref<1000000x64xf32, #tpu.memory_space<hbm>> -> memref<1000000x64xf32, #tpu.memory_space<hbm>>
    tpu.wait_indirect_dma semaphore(%arg18 : memref<!tpu.dma_semaphore, #tpu.memory_space<semaphore_mem>>) src(%dma_wait3A_21 : memref<1000000x64xf32, #tpu.memory_space<hbm>>) dst(%arg12 : memref<512x64xf32, #tpu.memory_space<vmem>>)
    %dma_wait3A_22 = arith.constant 0 : i32
    %dma_wait3A_23 = arith.constant 0 : i32
    %dma_wait3A_24 = tpu.memref_slice %arg5[%dma_wait3A_22, %dma_wait3A_23] : memref<1000000x64xf32, #tpu.memory_space<hbm>> -> memref<1000000x64xf32, #tpu.memory_space<hbm>>
    tpu.wait_indirect_dma semaphore(%arg18 : memref<!tpu.dma_semaphore, #tpu.memory_space<semaphore_mem>>) src(%dma_wait3A_24 : memref<1000000x64xf32, #tpu.memory_space<hbm>>) dst(%arg13 : memref<512x64xf32, #tpu.memory_space<vmem>>)
    %dma_wait3A_25 = arith.constant 0 : i32
    %dma_wait3A_26 = arith.constant 0 : i32
    %dma_wait3A_27 = tpu.memref_slice %arg6[%dma_wait3A_25, %dma_wait3A_26] : memref<1x1000000xf32, #tpu.memory_space<hbm>> -> memref<1x1000000xf32, #tpu.memory_space<hbm>>
    %dma_wait3A_28 = tpu.memref_squeeze %dma_wait3A_27 : memref<1x1000000xf32, #tpu.memory_space<hbm>> -> memref<1000000xf32, #tpu.memory_space<hbm>>
    %dma_wait3A_29 = arith.constant 0 : i32
    %dma_wait3A_30 = tpu.memref_slice %dma_wait3A_28[%dma_wait3A_29] : memref<1000000xf32, #tpu.memory_space<hbm>> -> memref<1000000xf32, #tpu.memory_space<hbm>>
    tpu.wait_indirect_dma semaphore(%arg18 : memref<!tpu.dma_semaphore, #tpu.memory_space<semaphore_mem>>) src(%dma_wait3A_30 : memref<1000000xf32, #tpu.memory_space<hbm>>) dst(%arg14 : memref<512xf32, #tpu.memory_space<vmem>>)
    %dma_wait3A_31 = arith.constant 0 : i32
    %dma_wait3A_32 = arith.constant 0 : i32
    %dma_wait3A_33 = tpu.memref_slice %arg7[%dma_wait3A_31, %dma_wait3A_32] : memref<1x1000000xf32, #tpu.memory_space<hbm>> -> memref<1x1000000xf32, #tpu.memory_space<hbm>>
    %dma_wait3A_34 = tpu.memref_squeeze %dma_wait3A_33 : memref<1x1000000xf32, #tpu.memory_space<hbm>> -> memref<1000000xf32, #tpu.memory_space<hbm>>
    %dma_wait3A_35 = arith.constant 0 : i32
    %dma_wait3A_36 = tpu.memref_slice %dma_wait3A_34[%dma_wait3A_35] : memref<1000000xf32, #tpu.memory_space<hbm>> -> memref<1000000xf32, #tpu.memory_space<hbm>>
    tpu.wait_indirect_dma semaphore(%arg18 : memref<!tpu.dma_semaphore, #tpu.memory_space<semaphore_mem>>) src(%dma_wait3A_36 : memref<1000000xf32, #tpu.memory_space<hbm>>) dst(%arg15 : memref<512xf32, #tpu.memory_space<vmem>>)
    %get3A = arith.constant 0 : index
    %get3A_37 = tpu.vector_load %arg17[%get3A] {strides = array<i32>} : memref<16xf32, #tpu.memory_space<vmem>>, vector<16xf32>,
    %scan3A = arith.constant 0 : i32
    %scan3A_38 = arith.constant 0 : i32
    %scan3A_39 = arith.constant 32 : i32
    %scan3A_40 = arith.addi %scan3A_38, %scan3A_39 : i32
    %scan3A_41 = arith.constant 1 : i32
    %scan3A_42 = scf.for %scan3A_44 = %scan3A_38 to %scan3A_40 step %scan3A_41 iter_args(%scan3A_45 = %scan3A) -> (i32)  : i32 {
      %iota3A = tpu.iota {dimensions = array<i32: 0>} : vector<16xi32>
      %mul3A_46 = arith.constant 16 : i32
      %mul3A_47 = arith.muli %scan3A_44, %mul3A_46 : i32
      %add3A_48 = vector.broadcast %mul3A_47 : i32 to vector<16xi32>
      %add3A_49 = arith.addi %iota3A, %add3A_48 : vector<16xi32>
      %broadcast_in_dim3A = arith.constant 0.000000e+00 : f32
      %broadcast_in_dim3A_50 = vector.broadcast %broadcast_in_dim3A : f32 to vector<16xf32>
      %broadcast_in_dim3A_51 = arith.constant 0 : i32
      %broadcast_in_dim3A_52 = vector.broadcast %broadcast_in_dim3A_51 : i32 to vector<16xi32>
      %gather3A = tpu.vector_load_idx %arg12[%add3A_49, %broadcast_in_dim3A_52] : memref<512x64xf32, #tpu.memory_space<vmem>>[vector<16xi32>, vector<16xi32>], vector<16xf32>,
      %gather3A_53 = tpu.vector_load_idx %arg13[%add3A_49, %broadcast_in_dim3A_52] : memref<512x64xf32, #tpu.memory_space<vmem>>[vector<16xi32>, vector<16xi32>], vector<16xf32>,
      %mul3A_54 = arith.mulf %gather3A, %gather3A_53 : vector<16xf32>
      %add3A_55 = arith.addf %broadcast_in_dim3A_50, %mul3A_54 : vector<16xf32>
      %broadcast_in_dim3A_56 = arith.constant 1 : i32
      %broadcast_in_dim3A_57 = vector.broadcast %broadcast_in_dim3A_56 : i32 to vector<16xi32>
      %gather3A_58 = tpu.vector_load_idx %arg12[%add3A_49, %broadcast_in_dim3A_57] : memref<512x64xf32, #tpu.memory_space<vmem>>[vector<16xi32>, vector<16xi32>], vector<16xf32>,
      %gather3A_59 = tpu.vector_load_idx %arg13[%add3A_49, %broadcast_in_dim3A_57] : memref<512x64xf32, #tpu.memory_space<vmem>>[vector<16xi32>, vector<16xi32>], vector<16xf32>,
      %mul3A_60 = arith.mulf %gather3A_58, %gather3A_59 : vector<16xf32>
      %add3A_61 = arith.addf %add3A_55, %mul3A_60 : vector<16xf32>
      %broadcast_in_dim3A_62 = arith.constant 2 : i32
      %broadcast_in_dim3A_63 = vector.broadcast %broadcast_in_dim3A_62 : i32 to vector<16xi32>
      %gather3A_64 = tpu.vector_load_idx %arg12[%add3A_49, %broadcast_in_dim3A_63] : memref<512x64xf32, #tpu.memory_space<vmem>>[vector<16xi32>, vector<16xi32>], vector<16xf32>,
      %gather3A_65 = tpu.vector_load_idx %arg13[%add3A_49, %broadcast_in_dim3A_63] : memref<512x64xf32, #tpu.memory_space<vmem>>[vector<16xi32>, vector<16xi32>], vector<16xf32>,
      %mul3A_66 = arith.mulf %gather3A_64, %gather3A_65 : vector<16xf32>
      %add3A_67 = arith.addf %add3A_61, %mul3A_66 : vector<16xf32>
      %broadcast_in_dim3A_68 = arith.constant 3 : i32
      %broadcast_in_dim3A_69 = vector.broadcast %broadcast_in_dim3A_68 : i32 to vector<16xi32>
      %gather3A_70 = tpu.vector_load_idx %arg12[%add3A_49, %broadcast_in_dim3A_69] : memref<512x64xf32, #tpu.memory_space<vmem>>[vector<16xi32>, vector<16xi32>], vector<16xf32>,
      %gather3A_71 = tpu.vector_load_idx %arg13[%add3A_49, %broadcast_in_dim3A_69] : memref<512x64xf32, #tpu.memory_space<vmem>>[vector<16xi32>, vector<16xi32>], vector<16xf32>,
      %mul3A_72 = arith.mulf %gather3A_70, %gather3A_71 : vector<16xf32>
      %add3A_73 = arith.addf %add3A_67, %mul3A_72 : vector<16xf32>
      %broadcast_in_dim3A_74 = arith.constant 4 : i32
      %broadcast_in_dim3A_75 = vector.broadcast %broadcast_in_dim3A_74 : i32 to vector<16xi32>
      %gather3A_76 = tpu.vector_load_idx %arg12[%add3A_49, %broadcast_in_dim3A_75] : memref<512x64xf32, #tpu.memory_space<vmem>>[vector<16xi32>, vector<16xi32>], vector<16xf32>,
      %gather3A_77 = tpu.vector_load_idx %arg13[%add3A_49, %broadcast_in_dim3A_75] : memref<512x64xf32, #tpu.memory_space<vmem>>[vector<16xi32>, vector<16xi32>], vector<16xf32>,
      %mul3A_78 = arith.mulf %gather3A_76, %gather3A_77 : vector<16xf32>
      %add3A_79 = arith.addf %add3A_73, %mul3A_78 : vector<16xf32>
      %broadcast_in_dim3A_80 = arith.constant 5 : i32
      %broadcast_in_dim3A_81 = vector.broadcast %broadcast_in_dim3A_80 : i32 to vector<16xi32>
      %gather3A_82 = tpu.vector_load_idx %arg12[%add3A_49, %broadcast_in_dim3A_81] : memref<512x64xf32, #tpu.memory_space<vmem>>[vector<16xi32>, vector<16xi32>], vector<16xf32>,
      %gather3A_83 = tpu.vector_load_idx %arg13[%add3A_49, %broadcast_in_dim3A_81] : memref<512x64xf32, #tpu.memory_space<vmem>>[vector<16xi32>, vector<16xi32>], vector<16xf32>,
      %mul3A_84 = arith.mulf %gather3A_82, %gather3A_83 : vector<16xf32>
      %add3A_85 = arith.addf %add3A_79, %mul3A_84 : vector<16xf32>
      %broadcast_in_dim3A_86 = arith.constant 6 : i32
      %broadcast_in_dim3A_87 = vector.broadcast %broadcast_in_dim3A_86 : i32 to vector<16xi32>
      %gather3A_88 = tpu.vector_load_idx %arg12[%add3A_49, %broadcast_in_dim3A_87] : memref<512x64xf32, #tpu.memory_space<vmem>>[vector<16xi32>, vector<16xi32>], vector<16xf32>,
      %gather3A_89 = tpu.vector_load_idx %arg13[%add3A_49, %broadcast_in_dim3A_87] : memref<512x64xf32, #tpu.memory_space<vmem>>[vector<16xi32>, vector<16xi32>], vector<16xf32>,
      %mul3A_90 = arith.mulf %gather3A_88, %gather3A_89 : vector<16xf32>
      %add3A_91 = arith.addf %add3A_85, %mul3A_90 : vector<16xf32>
      %broadcast_in_dim3A_92 = arith.constant 7 : i32
      %broadcast_in_dim3A_93 = vector.broadcast %broadcast_in_dim3A_92 : i32 to vector<16xi32>
      %gather3A_94 = tpu.vector_load_idx %arg12[%add3A_49, %broadcast_in_dim3A_93] : memref<512x64xf32, #tpu.memory_space<vmem>>[vector<16xi32>, vector<16xi32>], vector<16xf32>,
      %gather3A_95 = tpu.vector_load_idx %arg13[%add3A_49, %broadcast_in_dim3A_93] : memref<512x64xf32, #tpu.memory_space<vmem>>[vector<16xi32>, vector<16xi32>], vector<16xf32>,
      %mul3A_96 = arith.mulf %gather3A_94, %gather3A_95 : vector<16xf32>
      %add3A_97 = arith.addf %add3A_91, %mul3A_96 : vector<16xf32>
      %broadcast_in_dim3A_98 = arith.constant 8 : i32
      %broadcast_in_dim3A_99 = vector.broadcast %broadcast_in_dim3A_98 : i32 to vector<16xi32>
      %gather3A_100 = tpu.vector_load_idx %arg12[%add3A_49, %broadcast_in_dim3A_99] : memref<512x64xf32, #tpu.memory_space<vmem>>[vector<16xi32>, vector<16xi32>], vector<16xf32>,
      %gather3A_101 = tpu.vector_load_idx %arg13[%add3A_49, %broadcast_in_dim3A_99] : memref<512x64xf32, #tpu.memory_space<vmem>>[vector<16xi32>, vector<16xi32>], vector<16xf32>,
      %mul3A_102 = arith.mulf %gather3A_100, %gather3A_101 : vector<16xf32>
      %add3A_103 = arith.addf %add3A_97, %mul3A_102 : vector<16xf32>
      %broadcast_in_dim3A_104 = arith.constant 9 : i32
      %broadcast_in_dim3A_105 = vector.broadcast %broadcast_in_dim3A_104 : i32 to vector<16xi32>
      %gather3A_106 = tpu.vector_load_idx %arg12[%add3A_49, %broadcast_in_dim3A_105] : memref<512x64xf32, #tpu.memory_space<vmem>>[vector<16xi32>, vector<16xi32>], vector<16xf32>,
      %gather3A_107 = tpu.vector_load_idx %arg13[%add3A_49, %broadcast_in_dim3A_105] : memref<512x64xf32, #tpu.memory_space<vmem>>[vector<16xi32>, vector<16xi32>], vector<16xf32>,
      %mul3A_108 = arith.mulf %gather3A_106, %gather3A_107 : vector<16xf32>
      %add3A_109 = arith.addf %add3A_103, %mul3A_108 : vector<16xf32>
      %broadcast_in_dim3A_110 = arith.constant 10 : i32
      %broadcast_in_dim3A_111 = vector.broadcast %broadcast_in_dim3A_110 : i32 to vector<16xi32>
      %gather3A_112 = tpu.vector_load_idx %arg12[%add3A_49, %broadcast_in_dim3A_111] : memref<512x64xf32, #tpu.memory_space<vmem>>[vector<16xi32>, vector<16xi32>], vector<16xf32>,
      %gather3A_113 = tpu.vector_load_idx %arg13[%add3A_49, %broadcast_in_dim3A_111] : memref<512x64xf32, #tpu.memory_space<vmem>>[vector<16xi32>, vector<16xi32>], vector<16xf32>,
      %mul3A_114 = arith.mulf %gather3A_112, %gather3A_113 : vector<16xf32>
      %add3A_115 = arith.addf %add3A_109, %mul3A_114 : vector<16xf32>
      %broadcast_in_dim3A_116 = arith.constant 11 : i32
      %broadcast_in_dim3A_117 = vector.broadcast %broadcast_in_dim3A_116 : i32 to vector<16xi32>
      %gather3A_118 = tpu.vector_load_idx %arg12[%add3A_49, %broadcast_in_dim3A_117] : memref<512x64xf32, #tpu.memory_space<vmem>>[vector<16xi32>, vector<16xi32>], vector<16xf32>,
      %gather3A_119 = tpu.vector_load_idx %arg13[%add3A_49, %broadcast_in_dim3A_117] : memref<512x64xf32, #tpu.memory_space<vmem>>[vector<16xi32>, vector<16xi32>], vector<16xf32>,
      %mul3A_120 = arith.mulf %gather3A_118, %gather3A_119 : vector<16xf32>
      %add3A_121 = arith.addf %add3A_115, %mul3A_120 : vector<16xf32>
      %broadcast_in_dim3A_122 = arith.constant 12 : i32
      %broadcast_in_dim3A_123 = vector.broadcast %broadcast_in_dim3A_122 : i32 to vector<16xi32>
      %gather3A_124 = tpu.vector_load_idx %arg12[%add3A_49, %broadcast_in_dim3A_123] : memref<512x64xf32, #tpu.memory_space<vmem>>[vector<16xi32>, vector<16xi32>], vector<16xf32>,
      %gather3A_125 = tpu.vector_load_idx %arg13[%add3A_49, %broadcast_in_dim3A_123] : memref<512x64xf32, #tpu.memory_space<vmem>>[vector<16xi32>, vector<16xi32>], vector<16xf32>,
      %mul3A_126 = arith.mulf %gather3A_124, %gather3A_125 : vector<16xf32>
      %add3A_127 = arith.addf %add3A_121, %mul3A_126 : vector<16xf32>
      %broadcast_in_dim3A_128 = arith.constant 13 : i32
      %broadcast_in_dim3A_129 = vector.broadcast %broadcast_in_dim3A_128 : i32 to vector<16xi32>
      %gather3A_130 = tpu.vector_load_idx %arg12[%add3A_49, %broadcast_in_dim3A_129] : memref<512x64xf32, #tpu.memory_space<vmem>>[vector<16xi32>, vector<16xi32>], vector<16xf32>,
      %gather3A_131 = tpu.vector_load_idx %arg13[%add3A_49, %broadcast_in_dim3A_129] : memref<512x64xf32, #tpu.memory_space<vmem>>[vector<16xi32>, vector<16xi32>], vector<16xf32>,
      %mul3A_132 = arith.mulf %gather3A_130, %gather3A_131 : vector<16xf32>
      %add3A_133 = arith.addf %add3A_127, %mul3A_132 : vector<16xf32>
      %broadcast_in_dim3A_134 = arith.constant 14 : i32
      %broadcast_in_dim3A_135 = vector.broadcast %broadcast_in_dim3A_134 : i32 to vector<16xi32>
      %gather3A_136 = tpu.vector_load_idx %arg12[%add3A_49, %broadcast_in_dim3A_135] : memref<512x64xf32, #tpu.memory_space<vmem>>[vector<16xi32>, vector<16xi32>], vector<16xf32>,
      %gather3A_137 = tpu.vector_load_idx %arg13[%add3A_49, %broadcast_in_dim3A_135] : memref<512x64xf32, #tpu.memory_space<vmem>>[vector<16xi32>, vector<16xi32>], vector<16xf32>,
      %mul3A_138 = arith.mulf %gather3A_136, %gather3A_137 : vector<16xf32>
      %add3A_139 = arith.addf %add3A_133, %mul3A_138 : vector<16xf32>
      %broadcast_in_dim3A_140 = arith.constant 15 : i32
      %broadcast_in_dim3A_141 = vector.broadcast %broadcast_in_dim3A_140 : i32 to vector<16xi32>
      %gather3A_142 = tpu.vector_load_idx %arg12[%add3A_49, %broadcast_in_dim3A_141] : memref<512x64xf32, #tpu.memory_space<vmem>>[vector<16xi32>, vector<16xi32>], vector<16xf32>,
      %gather3A_143 = tpu.vector_load_idx %arg13[%add3A_49, %broadcast_in_dim3A_141] : memref<512x64xf32, #tpu.memory_space<vmem>>[vector<16xi32>, vector<16xi32>], vector<16xf32>,
      %mul3A_144 = arith.mulf %gather3A_142, %gather3A_143 : vector<16xf32>
      %add3A_145 = arith.addf %add3A_139, %mul3A_144 : vector<16xf32>
      %broadcast_in_dim3A_146 = arith.constant 16 : i32
      %broadcast_in_dim3A_147 = vector.broadcast %broadcast_in_dim3A_146 : i32 to vector<16xi32>
      %gather3A_148 = tpu.vector_load_idx %arg12[%add3A_49, %broadcast_in_dim3A_147] : memref<512x64xf32, #tpu.memory_space<vmem>>[vector<16xi32>, vector<16xi32>], vector<16xf32>,
      %gather3A_149 = tpu.vector_load_idx %arg13[%add3A_49, %broadcast_in_dim3A_147] : memref<512x64xf32, #tpu.memory_space<vmem>>[vector<16xi32>, vector<16xi32>], vector<16xf32>,
      %mul3A_150 = arith.mulf %gather3A_148, %gather3A_149 : vector<16xf32>
      %add3A_151 = arith.addf %add3A_145, %mul3A_150 : vector<16xf32>
      %broadcast_in_dim3A_152 = arith.constant 17 : i32
      %broadcast_in_dim3A_153 = vector.broadcast %broadcast_in_dim3A_152 : i32 to vector<16xi32>
      %gather3A_154 = tpu.vector_load_idx %arg12[%add3A_49, %broadcast_in_dim3A_153] : memref<512x64xf32, #tpu.memory_space<vmem>>[vector<16xi32>, vector<16xi32>], vector<16xf32>,
      %gather3A_155 = tpu.vector_load_idx %arg13[%add3A_49, %broadcast_in_dim3A_153] : memref<512x64xf32, #tpu.memory_space<vmem>>[vector<16xi32>, vector<16xi32>], vector<16xf32>,
      %mul3A_156 = arith.mulf %gather3A_154, %gather3A_155 : vector<16xf32>
      %add3A_157 = arith.addf %add3A_151, %mul3A_156 : vector<16xf32>
      %broadcast_in_dim3A_158 = arith.constant 18 : i32
      %broadcast_in_dim3A_159 = vector.broadcast %broadcast_in_dim3A_158 : i32 to vector<16xi32>
      %gather3A_160 = tpu.vector_load_idx %arg12[%add3A_49, %broadcast_in_dim3A_159] : memref<512x64xf32, #tpu.memory_space<vmem>>[vector<16xi32>, vector<16xi32>], vector<16xf32>,
      %gather3A_161 = tpu.vector_load_idx %arg13[%add3A_49, %broadcast_in_dim3A_159] : memref<512x64xf32, #tpu.memory_space<vmem>>[vector<16xi32>, vector<16xi32>], vector<16xf32>,
      %mul3A_162 = arith.mulf %gather3A_160, %gather3A_161 : vector<16xf32>
      %add3A_163 = arith.addf %add3A_157, %mul3A_162 : vector<16xf32>
      %broadcast_in_dim3A_164 = arith.constant 19 : i32
      %broadcast_in_dim3A_165 = vector.broadcast %broadcast_in_dim3A_164 : i32 to vector<16xi32>
      %gather3A_166 = tpu.vector_load_idx %arg12[%add3A_49, %broadcast_in_dim3A_165] : memref<512x64xf32, #tpu.memory_space<vmem>>[vector<16xi32>, vector<16xi32>], vector<16xf32>,
      %gather3A_167 = tpu.vector_load_idx %arg13[%add3A_49, %broadcast_in_dim3A_165] : memref<512x64xf32, #tpu.memory_space<vmem>>[vector<16xi32>, vector<16xi32>], vector<16xf32>,
      %mul3A_168 = arith.mulf %gather3A_166, %gather3A_167 : vector<16xf32>
      %add3A_169 = arith.addf %add3A_163, %mul3A_168 : vector<16xf32>
      %broadcast_in_dim3A_170 = arith.constant 20 : i32
      %broadcast_in_dim3A_171 = vector.broadcast %broadcast_in_dim3A_170 : i32 to vector<16xi32>
      %gather3A_172 = tpu.vector_load_idx %arg12[%add3A_49, %broadcast_in_dim3A_171] : memref<512x64xf32, #tpu.memory_space<vmem>>[vector<16xi32>, vector<16xi32>], vector<16xf32>,
      %gather3A_173 = tpu.vector_load_idx %arg13[%add3A_49, %broadcast_in_dim3A_171] : memref<512x64xf32, #tpu.memory_space<vmem>>[vector<16xi32>, vector<16xi32>], vector<16xf32>,
      %mul3A_174 = arith.mulf %gather3A_172, %gather3A_173 : vector<16xf32>
      %add3A_175 = arith.addf %add3A_169, %mul3A_174 : vector<16xf32>
      %broadcast_in_dim3A_176 = arith.constant 21 : i32
      %broadcast_in_dim3A_177 = vector.broadcast %broadcast_in_dim3A_176 : i32 to vector<16xi32>
      %gather3A_178 = tpu.vector_load_idx %arg12[%add3A_49, %broadcast_in_dim3A_177] : memref<512x64xf32, #tpu.memory_space<vmem>>[vector<16xi32>, vector<16xi32>], vector<16xf32>,
      %gather3A_179 = tpu.vector_load_idx %arg13[%add3A_49, %broadcast_in_dim3A_177] : memref<512x64xf32, #tpu.memory_space<vmem>>[vector<16xi32>, vector<16xi32>], vector<16xf32>,
      %mul3A_180 = arith.mulf %gather3A_178, %gather3A_179 : vector<16xf32>
      %add3A_181 = arith.addf %add3A_175, %mul3A_180 : vector<16xf32>
      %broadcast_in_dim3A_182 = arith.constant 22 : i32
      %broadcast_in_dim3A_183 = vector.broadcast %broadcast_in_dim3A_182 : i32 to vector<16xi32>
      %gather3A_184 = tpu.vector_load_idx %arg12[%add3A_49, %broadcast_in_dim3A_183] : memref<512x64xf32, #tpu.memory_space<vmem>>[vector<16xi32>, vector<16xi32>], vector<16xf32>,
      %gather3A_185 = tpu.vector_load_idx %arg13[%add3A_49, %broadcast_in_dim3A_183] : memref<512x64xf32, #tpu.memory_space<vmem>>[vector<16xi32>, vector<16xi32>], vector<16xf32>,
      %mul3A_186 = arith.mulf %gather3A_184, %gather3A_185 : vector<16xf32>
      %add3A_187 = arith.addf %add3A_181, %mul3A_186 : vector<16xf32>
      %broadcast_in_dim3A_188 = arith.constant 23 : i32
      %broadcast_in_dim3A_189 = vector.broadcast %broadcast_in_dim3A_188 : i32 to vector<16xi32>
      %gather3A_190 = tpu.vector_load_idx %arg12[%add3A_49, %broadcast_in_dim3A_189] : memref<512x64xf32, #tpu.memory_space<vmem>>[vector<16xi32>, vector<16xi32>], vector<16xf32>,
      %gather3A_191 = tpu.vector_load_idx %arg13[%add3A_49, %broadcast_in_dim3A_189] : memref<512x64xf32, #tpu.memory_space<vmem>>[vector<16xi32>, vector<16xi32>], vector<16xf32>,
      %mul3A_192 = arith.mulf %gather3A_190, %gather3A_191 : vector<16xf32>
      %add3A_193 = arith.addf %add3A_187, %mul3A_192 : vector<16xf32>
      %broadcast_in_dim3A_194 = arith.constant 24 : i32
      %broadcast_in_dim3A_195 = vector.broadcast %broadcast_in_dim3A_194 : i32 to vector<16xi32>
      %gather3A_196 = tpu.vector_load_idx %arg12[%add3A_49, %broadcast_in_dim3A_195] : memref<512x64xf32, #tpu.memory_space<vmem>>[vector<16xi32>, vector<16xi32>], vector<16xf32>,
      %gather3A_197 = tpu.vector_load_idx %arg13[%add3A_49, %broadcast_in_dim3A_195] : memref<512x64xf32, #tpu.memory_space<vmem>>[vector<16xi32>, vector<16xi32>], vector<16xf32>,
      %mul3A_198 = arith.mulf %gather3A_196, %gather3A_197 : vector<16xf32>
      %add3A_199 = arith.addf %add3A_193, %mul3A_198 : vector<16xf32>
      %broadcast_in_dim3A_200 = arith.constant 25 : i32
      %broadcast_in_dim3A_201 = vector.broadcast %broadcast_in_dim3A_200 : i32 to vector<16xi32>
      %gather3A_202 = tpu.vector_load_idx %arg12[%add3A_49, %broadcast_in_dim3A_201] : memref<512x64xf32, #tpu.memory_space<vmem>>[vector<16xi32>, vector<16xi32>], vector<16xf32>,
      %gather3A_203 = tpu.vector_load_idx %arg13[%add3A_49, %broadcast_in_dim3A_201] : memref<512x64xf32, #tpu.memory_space<vmem>>[vector<16xi32>, vector<16xi32>], vector<16xf32>,
      %mul3A_204 = arith.mulf %gather3A_202, %gather3A_203 : vector<16xf32>
      %add3A_205 = arith.addf %add3A_199, %mul3A_204 : vector<16xf32>
      %broadcast_in_dim3A_206 = arith.constant 26 : i32
      %broadcast_in_dim3A_207 = vector.broadcast %broadcast_in_dim3A_206 : i32 to vector<16xi32>
      %gather3A_208 = tpu.vector_load_idx %arg12[%add3A_49, %broadcast_in_dim3A_207] : memref<512x64xf32, #tpu.memory_space<vmem>>[vector<16xi32>, vector<16xi32>], vector<16xf32>,
      %gather3A_209 = tpu.vector_load_idx %arg13[%add3A_49, %broadcast_in_dim3A_207] : memref<512x64xf32, #tpu.memory_space<vmem>>[vector<16xi32>, vector<16xi32>], vector<16xf32>,
      %mul3A_210 = arith.mulf %gather3A_208, %gather3A_209 : vector<16xf32>
      %add3A_211 = arith.addf %add3A_205, %mul3A_210 : vector<16xf32>
      %broadcast_in_dim3A_212 = arith.constant 27 : i32
      %broadcast_in_dim3A_213 = vector.broadcast %broadcast_in_dim3A_212 : i32 to vector<16xi32>
      %gather3A_214 = tpu.vector_load_idx %arg12[%add3A_49, %broadcast_in_dim3A_213] : memref<512x64xf32, #tpu.memory_space<vmem>>[vector<16xi32>, vector<16xi32>], vector<16xf32>,
      %gather3A_215 = tpu.vector_load_idx %arg13[%add3A_49, %broadcast_in_dim3A_213] : memref<512x64xf32, #tpu.memory_space<vmem>>[vector<16xi32>, vector<16xi32>], vector<16xf32>,
      %mul3A_216 = arith.mulf %gather3A_214, %gather3A_215 : vector<16xf32>
      %add3A_217 = arith.addf %add3A_211, %mul3A_216 : vector<16xf32>
      %broadcast_in_dim3A_218 = arith.constant 28 : i32
      %broadcast_in_dim3A_219 = vector.broadcast %broadcast_in_dim3A_218 : i32 to vector<16xi32>
      %gather3A_220 = tpu.vector_load_idx %arg12[%add3A_49, %broadcast_in_dim3A_219] : memref<512x64xf32, #tpu.memory_space<vmem>>[vector<16xi32>, vector<16xi32>], vector<16xf32>,
      %gather3A_221 = tpu.vector_load_idx %arg13[%add3A_49, %broadcast_in_dim3A_219] : memref<512x64xf32, #tpu.memory_space<vmem>>[vector<16xi32>, vector<16xi32>], vector<16xf32>,
      %mul3A_222 = arith.mulf %gather3A_220, %gather3A_221 : vector<16xf32>
      %add3A_223 = arith.addf %add3A_217, %mul3A_222 : vector<16xf32>
      %broadcast_in_dim3A_224 = arith.constant 29 : i32
      %broadcast_in_dim3A_225 = vector.broadcast %broadcast_in_dim3A_224 : i32 to vector<16xi32>
      %gather3A_226 = tpu.vector_load_idx %arg12[%add3A_49, %broadcast_in_dim3A_225] : memref<512x64xf32, #tpu.memory_space<vmem>>[vector<16xi32>, vector<16xi32>], vector<16xf32>,
      %gather3A_227 = tpu.vector_load_idx %arg13[%add3A_49, %broadcast_in_dim3A_225] : memref<512x64xf32, #tpu.memory_space<vmem>>[vector<16xi32>, vector<16xi32>], vector<16xf32>,
      %mul3A_228 = arith.mulf %gather3A_226, %gather3A_227 : vector<16xf32>
      %add3A_229 = arith.addf %add3A_223, %mul3A_228 : vector<16xf32>
      %broadcast_in_dim3A_230 = arith.constant 30 : i32
      %broadcast_in_dim3A_231 = vector.broadcast %broadcast_in_dim3A_230 : i32 to vector<16xi32>
      %gather3A_232 = tpu.vector_load_idx %arg12[%add3A_49, %broadcast_in_dim3A_231] : memref<512x64xf32, #tpu.memory_space<vmem>>[vector<16xi32>, vector<16xi32>], vector<16xf32>,
      %gather3A_233 = tpu.vector_load_idx %arg13[%add3A_49, %broadcast_in_dim3A_231] : memref<512x64xf32, #tpu.memory_space<vmem>>[vector<16xi32>, vector<16xi32>], vector<16xf32>,
      %mul3A_234 = arith.mulf %gather3A_232, %gather3A_233 : vector<16xf32>
      %add3A_235 = arith.addf %add3A_229, %mul3A_234 : vector<16xf32>
      %broadcast_in_dim3A_236 = arith.constant 31 : i32
      %broadcast_in_dim3A_237 = vector.broadcast %broadcast_in_dim3A_236 : i32 to vector<16xi32>
      %gather3A_238 = tpu.vector_load_idx %arg12[%add3A_49, %broadcast_in_dim3A_237] : memref<512x64xf32, #tpu.memory_space<vmem>>[vector<16xi32>, vector<16xi32>], vector<16xf32>,
      %gather3A_239 = tpu.vector_load_idx %arg13[%add3A_49, %broadcast_in_dim3A_237] : memref<512x64xf32, #tpu.memory_space<vmem>>[vector<16xi32>, vector<16xi32>], vector<16xf32>,
      %mul3A_240 = arith.mulf %gather3A_238, %gather3A_239 : vector<16xf32>
      %add3A_241 = arith.addf %add3A_235, %mul3A_240 : vector<16xf32>
      %broadcast_in_dim3A_242 = arith.constant 32 : i32
      %broadcast_in_dim3A_243 = vector.broadcast %broadcast_in_dim3A_242 : i32 to vector<16xi32>
      %gather3A_244 = tpu.vector_load_idx %arg12[%add3A_49, %broadcast_in_dim3A_243] : memref<512x64xf32, #tpu.memory_space<vmem>>[vector<16xi32>, vector<16xi32>], vector<16xf32>,
      %gather3A_245 = tpu.vector_load_idx %arg13[%add3A_49, %broadcast_in_dim3A_243] : memref<512x64xf32, #tpu.memory_space<vmem>>[vector<16xi32>, vector<16xi32>], vector<16xf32>,
      %mul3A_246 = arith.mulf %gather3A_244, %gather3A_245 : vector<16xf32>
      %add3A_247 = arith.addf %add3A_241, %mul3A_246 : vector<16xf32>
      %broadcast_in_dim3A_248 = arith.constant 33 : i32
      %broadcast_in_dim3A_249 = vector.broadcast %broadcast_in_dim3A_248 : i32 to vector<16xi32>
      %gather3A_250 = tpu.vector_load_idx %arg12[%add3A_49, %broadcast_in_dim3A_249] : memref<512x64xf32, #tpu.memory_space<vmem>>[vector<16xi32>, vector<16xi32>], vector<16xf32>,
      %gather3A_251 = tpu.vector_load_idx %arg13[%add3A_49, %broadcast_in_dim3A_249] : memref<512x64xf32, #tpu.memory_space<vmem>>[vector<16xi32>, vector<16xi32>], vector<16xf32>,
      %mul3A_252 = arith.mulf %gather3A_250, %gather3A_251 : vector<16xf32>
      %add3A_253 = arith.addf %add3A_247, %mul3A_252 : vector<16xf32>
      %broadcast_in_dim3A_254 = arith.constant 34 : i32
      %broadcast_in_dim3A_255 = vector.broadcast %broadcast_in_dim3A_254 : i32 to vector<16xi32>
      %gather3A_256 = tpu.vector_load_idx %arg12[%add3A_49, %broadcast_in_dim3A_255] : memref<512x64xf32, #tpu.memory_space<vmem>>[vector<16xi32>, vector<16xi32>], vector<16xf32>,
      %gather3A_257 = tpu.vector_load_idx %arg13[%add3A_49, %broadcast_in_dim3A_255] : memref<512x64xf32, #tpu.memory_space<vmem>>[vector<16xi32>, vector<16xi32>], vector<16xf32>,
      %mul3A_258 = arith.mulf %gather3A_256, %gather3A_257 : vector<16xf32>
      %add3A_259 = arith.addf %add3A_253, %mul3A_258 : vector<16xf32>
      %broadcast_in_dim3A_260 = arith.constant 35 : i32
      %broadcast_in_dim3A_261 = vector.broadcast %broadcast_in_dim3A_260 : i32 to vector<16xi32>
      %gather3A_262 = tpu.vector_load_idx %arg12[%add3A_49, %broadcast_in_dim3A_261] : memref<512x64xf32, #tpu.memory_space<vmem>>[vector<16xi32>, vector<16xi32>], vector<16xf32>,
      %gather3A_263 = tpu.vector_load_idx %arg13[%add3A_49, %broadcast_in_dim3A_261] : memref<512x64xf32, #tpu.memory_space<vmem>>[vector<16xi32>, vector<16xi32>], vector<16xf32>,
      %mul3A_264 = arith.mulf %gather3A_262, %gather3A_263 : vector<16xf32>
      %add3A_265 = arith.addf %add3A_259, %mul3A_264 : vector<16xf32>
      %broadcast_in_dim3A_266 = arith.constant 36 : i32
      %broadcast_in_dim3A_267 = vector.broadcast %broadcast_in_dim3A_266 : i32 to vector<16xi32>
      %gather3A_268 = tpu.vector_load_idx %arg12[%add3A_49, %broadcast_in_dim3A_267] : memref<512x64xf32, #tpu.memory_space<vmem>>[vector<16xi32>, vector<16xi32>], vector<16xf32>,
      %gather3A_269 = tpu.vector_load_idx %arg13[%add3A_49, %broadcast_in_dim3A_267] : memref<512x64xf32, #tpu.memory_space<vmem>>[vector<16xi32>, vector<16xi32>], vector<16xf32>,
      %mul3A_270 = arith.mulf %gather3A_268, %gather3A_269 : vector<16xf32>
      %add3A_271 = arith.addf %add3A_265, %mul3A_270 : vector<16xf32>
      %broadcast_in_dim3A_272 = arith.constant 37 : i32
      %broadcast_in_dim3A_273 = vector.broadcast %broadcast_in_dim3A_272 : i32 to vector<16xi32>
      %gather3A_274 = tpu.vector_load_idx %arg12[%add3A_49, %broadcast_in_dim3A_273] : memref<512x64xf32, #tpu.memory_space<vmem>>[vector<16xi32>, vector<16xi32>], vector<16xf32>,
      %gather3A_275 = tpu.vector_load_idx %arg13[%add3A_49, %broadcast_in_dim3A_273] : memref<512x64xf32, #tpu.memory_space<vmem>>[vector<16xi32>, vector<16xi32>], vector<16xf32>,
      %mul3A_276 = arith.mulf %gather3A_274, %gather3A_275 : vector<16xf32>
      %add3A_277 = arith.addf %add3A_271, %mul3A_276 : vector<16xf32>
      %broadcast_in_dim3A_278 = arith.constant 38 : i32
      %broadcast_in_dim3A_279 = vector.broadcast %broadcast_in_dim3A_278 : i32 to vector<16xi32>
      %gather3A_280 = tpu.vector_load_idx %arg12[%add3A_49, %broadcast_in_dim3A_279] : memref<512x64xf32, #tpu.memory_space<vmem>>[vector<16xi32>, vector<16xi32>], vector<16xf32>,
      %gather3A_281 = tpu.vector_load_idx %arg13[%add3A_49, %broadcast_in_dim3A_279] : memref<512x64xf32, #tpu.memory_space<vmem>>[vector<16xi32>, vector<16xi32>], vector<16xf32>,
      %mul3A_282 = arith.mulf %gather3A_280, %gather3A_281 : vector<16xf32>
      %add3A_283 = arith.addf %add3A_277, %mul3A_282 : vector<16xf32>
      %broadcast_in_dim3A_284 = arith.constant 39 : i32
      %broadcast_in_dim3A_285 = vector.broadcast %broadcast_in_dim3A_284 : i32 to vector<16xi32>
      %gather3A_286 = tpu.vector_load_idx %arg12[%add3A_49, %broadcast_in_dim3A_285] : memref<512x64xf32, #tpu.memory_space<vmem>>[vector<16xi32>, vector<16xi32>], vector<16xf32>,
      %gather3A_287 = tpu.vector_load_idx %arg13[%add3A_49, %broadcast_in_dim3A_285] : memref<512x64xf32, #tpu.memory_space<vmem>>[vector<16xi32>, vector<16xi32>], vector<16xf32>,
      %mul3A_288 = arith.mulf %gather3A_286, %gather3A_287 : vector<16xf32>
      %add3A_289 = arith.addf %add3A_283, %mul3A_288 : vector<16xf32>
      %broadcast_in_dim3A_290 = arith.constant 40 : i32
      %broadcast_in_dim3A_291 = vector.broadcast %broadcast_in_dim3A_290 : i32 to vector<16xi32>
      %gather3A_292 = tpu.vector_load_idx %arg12[%add3A_49, %broadcast_in_dim3A_291] : memref<512x64xf32, #tpu.memory_space<vmem>>[vector<16xi32>, vector<16xi32>], vector<16xf32>,
      %gather3A_293 = tpu.vector_load_idx %arg13[%add3A_49, %broadcast_in_dim3A_291] : memref<512x64xf32, #tpu.memory_space<vmem>>[vector<16xi32>, vector<16xi32>], vector<16xf32>,
      %mul3A_294 = arith.mulf %gather3A_292, %gather3A_293 : vector<16xf32>
      %add3A_295 = arith.addf %add3A_289, %mul3A_294 : vector<16xf32>
      %broadcast_in_dim3A_296 = arith.constant 41 : i32
      %broadcast_in_dim3A_297 = vector.broadcast %broadcast_in_dim3A_296 : i32 to vector<16xi32>
      %gather3A_298 = tpu.vector_load_idx %arg12[%add3A_49, %broadcast_in_dim3A_297] : memref<512x64xf32, #tpu.memory_space<vmem>>[vector<16xi32>, vector<16xi32>], vector<16xf32>,
      %gather3A_299 = tpu.vector_load_idx %arg13[%add3A_49, %broadcast_in_dim3A_297] : memref<512x64xf32, #tpu.memory_space<vmem>>[vector<16xi32>, vector<16xi32>], vector<16xf32>,
      %mul3A_300 = arith.mulf %gather3A_298, %gather3A_299 : vector<16xf32>
      %add3A_301 = arith.addf %add3A_295, %mul3A_300 : vector<16xf32>
      %broadcast_in_dim3A_302 = arith.constant 42 : i32
      %broadcast_in_dim3A_303 = vector.broadcast %broadcast_in_dim3A_302 : i32 to vector<16xi32>
      %gather3A_304 = tpu.vector_load_idx %arg12[%add3A_49, %broadcast_in_dim3A_303] : memref<512x64xf32, #tpu.memory_space<vmem>>[vector<16xi32>, vector<16xi32>], vector<16xf32>,
      %gather3A_305 = tpu.vector_load_idx %arg13[%add3A_49, %broadcast_in_dim3A_303] : memref<512x64xf32, #tpu.memory_space<vmem>>[vector<16xi32>, vector<16xi32>], vector<16xf32>,
      %mul3A_306 = arith.mulf %gather3A_304, %gather3A_305 : vector<16xf32>
      %add3A_307 = arith.addf %add3A_301, %mul3A_306 : vector<16xf32>
      %broadcast_in_dim3A_308 = arith.constant 43 : i32
      %broadcast_in_dim3A_309 = vector.broadcast %broadcast_in_dim3A_308 : i32 to vector<16xi32>
      %gather3A_310 = tpu.vector_load_idx %arg12[%add3A_49, %broadcast_in_dim3A_309] : memref<512x64xf32, #tpu.memory_space<vmem>>[vector<16xi32>, vector<16xi32>], vector<16xf32>,
      %gather3A_311 = tpu.vector_load_idx %arg13[%add3A_49, %broadcast_in_dim3A_309] : memref<512x64xf32, #tpu.memory_space<vmem>>[vector<16xi32>, vector<16xi32>], vector<16xf32>,
      %mul3A_312 = arith.mulf %gather3A_310, %gather3A_311 : vector<16xf32>
      %add3A_313 = arith.addf %add3A_307, %mul3A_312 : vector<16xf32>
      %broadcast_in_dim3A_314 = arith.constant 44 : i32
      %broadcast_in_dim3A_315 = vector.broadcast %broadcast_in_dim3A_314 : i32 to vector<16xi32>
      %gather3A_316 = tpu.vector_load_idx %arg12[%add3A_49, %broadcast_in_dim3A_315] : memref<512x64xf32, #tpu.memory_space<vmem>>[vector<16xi32>, vector<16xi32>], vector<16xf32>,
      %gather3A_317 = tpu.vector_load_idx %arg13[%add3A_49, %broadcast_in_dim3A_315] : memref<512x64xf32, #tpu.memory_space<vmem>>[vector<16xi32>, vector<16xi32>], vector<16xf32>,
      %mul3A_318 = arith.mulf %gather3A_316, %gather3A_317 : vector<16xf32>
      %add3A_319 = arith.addf %add3A_313, %mul3A_318 : vector<16xf32>
      %broadcast_in_dim3A_320 = arith.constant 45 : i32
      %broadcast_in_dim3A_321 = vector.broadcast %broadcast_in_dim3A_320 : i32 to vector<16xi32>
      %gather3A_322 = tpu.vector_load_idx %arg12[%add3A_49, %broadcast_in_dim3A_321] : memref<512x64xf32, #tpu.memory_space<vmem>>[vector<16xi32>, vector<16xi32>], vector<16xf32>,
      %gather3A_323 = tpu.vector_load_idx %arg13[%add3A_49, %broadcast_in_dim3A_321] : memref<512x64xf32, #tpu.memory_space<vmem>>[vector<16xi32>, vector<16xi32>], vector<16xf32>,
      %mul3A_324 = arith.mulf %gather3A_322, %gather3A_323 : vector<16xf32>
      %add3A_325 = arith.addf %add3A_319, %mul3A_324 : vector<16xf32>
      %broadcast_in_dim3A_326 = arith.constant 46 : i32
      %broadcast_in_dim3A_327 = vector.broadcast %broadcast_in_dim3A_326 : i32 to vector<16xi32>
      %gather3A_328 = tpu.vector_load_idx %arg12[%add3A_49, %broadcast_in_dim3A_327] : memref<512x64xf32, #tpu.memory_space<vmem>>[vector<16xi32>, vector<16xi32>], vector<16xf32>,
      %gather3A_329 = tpu.vector_load_idx %arg13[%add3A_49, %broadcast_in_dim3A_327] : memref<512x64xf32, #tpu.memory_space<vmem>>[vector<16xi32>, vector<16xi32>], vector<16xf32>,
      %mul3A_330 = arith.mulf %gather3A_328, %gather3A_329 : vector<16xf32>
      %add3A_331 = arith.addf %add3A_325, %mul3A_330 : vector<16xf32>
      %broadcast_in_dim3A_332 = arith.constant 47 : i32
      %broadcast_in_dim3A_333 = vector.broadcast %broadcast_in_dim3A_332 : i32 to vector<16xi32>
      %gather3A_334 = tpu.vector_load_idx %arg12[%add3A_49, %broadcast_in_dim3A_333] : memref<512x64xf32, #tpu.memory_space<vmem>>[vector<16xi32>, vector<16xi32>], vector<16xf32>,
      %gather3A_335 = tpu.vector_load_idx %arg13[%add3A_49, %broadcast_in_dim3A_333] : memref<512x64xf32, #tpu.memory_space<vmem>>[vector<16xi32>, vector<16xi32>], vector<16xf32>,
      %mul3A_336 = arith.mulf %gather3A_334, %gather3A_335 : vector<16xf32>
      %add3A_337 = arith.addf %add3A_331, %mul3A_336 : vector<16xf32>
      %broadcast_in_dim3A_338 = arith.constant 48 : i32
      %broadcast_in_dim3A_339 = vector.broadcast %broadcast_in_dim3A_338 : i32 to vector<16xi32>
      %gather3A_340 = tpu.vector_load_idx %arg12[%add3A_49, %broadcast_in_dim3A_339] : memref<512x64xf32, #tpu.memory_space<vmem>>[vector<16xi32>, vector<16xi32>], vector<16xf32>,
      %gather3A_341 = tpu.vector_load_idx %arg13[%add3A_49, %broadcast_in_dim3A_339] : memref<512x64xf32, #tpu.memory_space<vmem>>[vector<16xi32>, vector<16xi32>], vector<16xf32>,
      %mul3A_342 = arith.mulf %gather3A_340, %gather3A_341 : vector<16xf32>
      %add3A_343 = arith.addf %add3A_337, %mul3A_342 : vector<16xf32>
      %broadcast_in_dim3A_344 = arith.constant 49 : i32
      %broadcast_in_dim3A_345 = vector.broadcast %broadcast_in_dim3A_344 : i32 to vector<16xi32>
      %gather3A_346 = tpu.vector_load_idx %arg12[%add3A_49, %broadcast_in_dim3A_345] : memref<512x64xf32, #tpu.memory_space<vmem>>[vector<16xi32>, vector<16xi32>], vector<16xf32>,
      %gather3A_347 = tpu.vector_load_idx %arg13[%add3A_49, %broadcast_in_dim3A_345] : memref<512x64xf32, #tpu.memory_space<vmem>>[vector<16xi32>, vector<16xi32>], vector<16xf32>,
      %mul3A_348 = arith.mulf %gather3A_346, %gather3A_347 : vector<16xf32>
      %add3A_349 = arith.addf %add3A_343, %mul3A_348 : vector<16xf32>
      %broadcast_in_dim3A_350 = arith.constant 50 : i32
      %broadcast_in_dim3A_351 = vector.broadcast %broadcast_in_dim3A_350 : i32 to vector<16xi32>
      %gather3A_352 = tpu.vector_load_idx %arg12[%add3A_49, %broadcast_in_dim3A_351] : memref<512x64xf32, #tpu.memory_space<vmem>>[vector<16xi32>, vector<16xi32>], vector<16xf32>,
      %gather3A_353 = tpu.vector_load_idx %arg13[%add3A_49, %broadcast_in_dim3A_351] : memref<512x64xf32, #tpu.memory_space<vmem>>[vector<16xi32>, vector<16xi32>], vector<16xf32>,
      %mul3A_354 = arith.mulf %gather3A_352, %gather3A_353 : vector<16xf32>
      %add3A_355 = arith.addf %add3A_349, %mul3A_354 : vector<16xf32>
      %broadcast_in_dim3A_356 = arith.constant 51 : i32
      %broadcast_in_dim3A_357 = vector.broadcast %broadcast_in_dim3A_356 : i32 to vector<16xi32>
      %gather3A_358 = tpu.vector_load_idx %arg12[%add3A_49, %broadcast_in_dim3A_357] : memref<512x64xf32, #tpu.memory_space<vmem>>[vector<16xi32>, vector<16xi32>], vector<16xf32>,
      %gather3A_359 = tpu.vector_load_idx %arg13[%add3A_49, %broadcast_in_dim3A_357] : memref<512x64xf32, #tpu.memory_space<vmem>>[vector<16xi32>, vector<16xi32>], vector<16xf32>,
      %mul3A_360 = arith.mulf %gather3A_358, %gather3A_359 : vector<16xf32>
      %add3A_361 = arith.addf %add3A_355, %mul3A_360 : vector<16xf32>
      %broadcast_in_dim3A_362 = arith.constant 52 : i32
      %broadcast_in_dim3A_363 = vector.broadcast %broadcast_in_dim3A_362 : i32 to vector<16xi32>
      %gather3A_364 = tpu.vector_load_idx %arg12[%add3A_49, %broadcast_in_dim3A_363] : memref<512x64xf32, #tpu.memory_space<vmem>>[vector<16xi32>, vector<16xi32>], vector<16xf32>,
      %gather3A_365 = tpu.vector_load_idx %arg13[%add3A_49, %broadcast_in_dim3A_363] : memref<512x64xf32, #tpu.memory_space<vmem>>[vector<16xi32>, vector<16xi32>], vector<16xf32>,
      %mul3A_366 = arith.mulf %gather3A_364, %gather3A_365 : vector<16xf32>
      %add3A_367 = arith.addf %add3A_361, %mul3A_366 : vector<16xf32>
      %broadcast_in_dim3A_368 = arith.constant 53 : i32
      %broadcast_in_dim3A_369 = vector.broadcast %broadcast_in_dim3A_368 : i32 to vector<16xi32>
      %gather3A_370 = tpu.vector_load_idx %arg12[%add3A_49, %broadcast_in_dim3A_369] : memref<512x64xf32, #tpu.memory_space<vmem>>[vector<16xi32>, vector<16xi32>], vector<16xf32>,
      %gather3A_371 = tpu.vector_load_idx %arg13[%add3A_49, %broadcast_in_dim3A_369] : memref<512x64xf32, #tpu.memory_space<vmem>>[vector<16xi32>, vector<16xi32>], vector<16xf32>,
      %mul3A_372 = arith.mulf %gather3A_370, %gather3A_371 : vector<16xf32>
      %add3A_373 = arith.addf %add3A_367, %mul3A_372 : vector<16xf32>
      %broadcast_in_dim3A_374 = arith.constant 54 : i32
      %broadcast_in_dim3A_375 = vector.broadcast %broadcast_in_dim3A_374 : i32 to vector<16xi32>
      %gather3A_376 = tpu.vector_load_idx %arg12[%add3A_49, %broadcast_in_dim3A_375] : memref<512x64xf32, #tpu.memory_space<vmem>>[vector<16xi32>, vector<16xi32>], vector<16xf32>,
      %gather3A_377 = tpu.vector_load_idx %arg13[%add3A_49, %broadcast_in_dim3A_375] : memref<512x64xf32, #tpu.memory_space<vmem>>[vector<16xi32>, vector<16xi32>], vector<16xf32>,
      %mul3A_378 = arith.mulf %gather3A_376, %gather3A_377 : vector<16xf32>
      %add3A_379 = arith.addf %add3A_373, %mul3A_378 : vector<16xf32>
      %broadcast_in_dim3A_380 = arith.constant 55 : i32
      %broadcast_in_dim3A_381 = vector.broadcast %broadcast_in_dim3A_380 : i32 to vector<16xi32>
      %gather3A_382 = tpu.vector_load_idx %arg12[%add3A_49, %broadcast_in_dim3A_381] : memref<512x64xf32, #tpu.memory_space<vmem>>[vector<16xi32>, vector<16xi32>], vector<16xf32>,
      %gather3A_383 = tpu.vector_load_idx %arg13[%add3A_49, %broadcast_in_dim3A_381] : memref<512x64xf32, #tpu.memory_space<vmem>>[vector<16xi32>, vector<16xi32>], vector<16xf32>,
      %mul3A_384 = arith.mulf %gather3A_382, %gather3A_383 : vector<16xf32>
      %add3A_385 = arith.addf %add3A_379, %mul3A_384 : vector<16xf32>
      %broadcast_in_dim3A_386 = arith.constant 56 : i32
      %broadcast_in_dim3A_387 = vector.broadcast %broadcast_in_dim3A_386 : i32 to vector<16xi32>
      %gather3A_388 = tpu.vector_load_idx %arg12[%add3A_49, %broadcast_in_dim3A_387] : memref<512x64xf32, #tpu.memory_space<vmem>>[vector<16xi32>, vector<16xi32>], vector<16xf32>,
      %gather3A_389 = tpu.vector_load_idx %arg13[%add3A_49, %broadcast_in_dim3A_387] : memref<512x64xf32, #tpu.memory_space<vmem>>[vector<16xi32>, vector<16xi32>], vector<16xf32>,
      %mul3A_390 = arith.mulf %gather3A_388, %gather3A_389 : vector<16xf32>
      %add3A_391 = arith.addf %add3A_385, %mul3A_390 : vector<16xf32>
      %broadcast_in_dim3A_392 = arith.constant 57 : i32
      %broadcast_in_dim3A_393 = vector.broadcast %broadcast_in_dim3A_392 : i32 to vector<16xi32>
      %gather3A_394 = tpu.vector_load_idx %arg12[%add3A_49, %broadcast_in_dim3A_393] : memref<512x64xf32, #tpu.memory_space<vmem>>[vector<16xi32>, vector<16xi32>], vector<16xf32>,
      %gather3A_395 = tpu.vector_load_idx %arg13[%add3A_49, %broadcast_in_dim3A_393] : memref<512x64xf32, #tpu.memory_space<vmem>>[vector<16xi32>, vector<16xi32>], vector<16xf32>,
      %mul3A_396 = arith.mulf %gather3A_394, %gather3A_395 : vector<16xf32>
      %add3A_397 = arith.addf %add3A_391, %mul3A_396 : vector<16xf32>
      %broadcast_in_dim3A_398 = arith.constant 58 : i32
      %broadcast_in_dim3A_399 = vector.broadcast %broadcast_in_dim3A_398 : i32 to vector<16xi32>
      %gather3A_400 = tpu.vector_load_idx %arg12[%add3A_49, %broadcast_in_dim3A_399] : memref<512x64xf32, #tpu.memory_space<vmem>>[vector<16xi32>, vector<16xi32>], vector<16xf32>,
      %gather3A_401 = tpu.vector_load_idx %arg13[%add3A_49, %broadcast_in_dim3A_399] : memref<512x64xf32, #tpu.memory_space<vmem>>[vector<16xi32>, vector<16xi32>], vector<16xf32>,
      %mul3A_402 = arith.mulf %gather3A_400, %gather3A_401 : vector<16xf32>
      %add3A_403 = arith.addf %add3A_397, %mul3A_402 : vector<16xf32>
      %broadcast_in_dim3A_404 = arith.constant 59 : i32
      %broadcast_in_dim3A_405 = vector.broadcast %broadcast_in_dim3A_404 : i32 to vector<16xi32>
      %gather3A_406 = tpu.vector_load_idx %arg12[%add3A_49, %broadcast_in_dim3A_405] : memref<512x64xf32, #tpu.memory_space<vmem>>[vector<16xi32>, vector<16xi32>], vector<16xf32>,
      %gather3A_407 = tpu.vector_load_idx %arg13[%add3A_49, %broadcast_in_dim3A_405] : memref<512x64xf32, #tpu.memory_space<vmem>>[vector<16xi32>, vector<16xi32>], vector<16xf32>,
      %mul3A_408 = arith.mulf %gather3A_406, %gather3A_407 : vector<16xf32>
      %add3A_409 = arith.addf %add3A_403, %mul3A_408 : vector<16xf32>
      %broadcast_in_dim3A_410 = arith.constant 60 : i32
      %broadcast_in_dim3A_411 = vector.broadcast %broadcast_in_dim3A_410 : i32 to vector<16xi32>
      %gather3A_412 = tpu.vector_load_idx %arg12[%add3A_49, %broadcast_in_dim3A_411] : memref<512x64xf32, #tpu.memory_space<vmem>>[vector<16xi32>, vector<16xi32>], vector<16xf32>,
      %gather3A_413 = tpu.vector_load_idx %arg13[%add3A_49, %broadcast_in_dim3A_411] : memref<512x64xf32, #tpu.memory_space<vmem>>[vector<16xi32>, vector<16xi32>], vector<16xf32>,
      %mul3A_414 = arith.mulf %gather3A_412, %gather3A_413 : vector<16xf32>
      %add3A_415 = arith.addf %add3A_409, %mul3A_414 : vector<16xf32>
      %broadcast_in_dim3A_416 = arith.constant 61 : i32
      %broadcast_in_dim3A_417 = vector.broadcast %broadcast_in_dim3A_416 : i32 to vector<16xi32>
      %gather3A_418 = tpu.vector_load_idx %arg12[%add3A_49, %broadcast_in_dim3A_417] : memref<512x64xf32, #tpu.memory_space<vmem>>[vector<16xi32>, vector<16xi32>], vector<16xf32>,
      %gather3A_419 = tpu.vector_load_idx %arg13[%add3A_49, %broadcast_in_dim3A_417] : memref<512x64xf32, #tpu.memory_space<vmem>>[vector<16xi32>, vector<16xi32>], vector<16xf32>,
      %mul3A_420 = arith.mulf %gather3A_418, %gather3A_419 : vector<16xf32>
      %add3A_421 = arith.addf %add3A_415, %mul3A_420 : vector<16xf32>
      %broadcast_in_dim3A_422 = arith.constant 62 : i32
      %broadcast_in_dim3A_423 = vector.broadcast %broadcast_in_dim3A_422 : i32 to vector<16xi32>
      %gather3A_424 = tpu.vector_load_idx %arg12[%add3A_49, %broadcast_in_dim3A_423] : memref<512x64xf32, #tpu.memory_space<vmem>>[vector<16xi32>, vector<16xi32>], vector<16xf32>,
      %gather3A_425 = tpu.vector_load_idx %arg13[%add3A_49, %broadcast_in_dim3A_423] : memref<512x64xf32, #tpu.memory_space<vmem>>[vector<16xi32>, vector<16xi32>], vector<16xf32>,
      %mul3A_426 = arith.mulf %gather3A_424, %gather3A_425 : vector<16xf32>
      %add3A_427 = arith.addf %add3A_421, %mul3A_426 : vector<16xf32>
      %broadcast_in_dim3A_428 = arith.constant 63 : i32
      %broadcast_in_dim3A_429 = vector.broadcast %broadcast_in_dim3A_428 : i32 to vector<16xi32>
      %gather3A_430 = tpu.vector_load_idx %arg12[%add3A_49, %broadcast_in_dim3A_429] : memref<512x64xf32, #tpu.memory_space<vmem>>[vector<16xi32>, vector<16xi32>], vector<16xf32>,
      %gather3A_431 = tpu.vector_load_idx %arg13[%add3A_49, %broadcast_in_dim3A_429] : memref<512x64xf32, #tpu.memory_space<vmem>>[vector<16xi32>, vector<16xi32>], vector<16xf32>,
      %mul3A_432 = arith.mulf %gather3A_430, %gather3A_431 : vector<16xf32>
      %add3A_433 = arith.addf %add3A_427, %mul3A_432 : vector<16xf32>
      %mul3A_434 = arith.constant 16 : i32
      %mul3A_435 = arith.muli %scan3A_44, %mul3A_434 : i32
      %get3A_436 = arith.index_cast %mul3A_435 : i32 to index
      %get3A_437 = tpu.vector_load %arg14[%get3A_436] {strides = array<i32>} : memref<512xf32, #tpu.memory_space<vmem>>, vector<16xf32>,
      %add3A_438 = arith.addf %add3A_433, %get3A_437 : vector<16xf32>
      %mul3A_439 = arith.constant 16 : i32
      %mul3A_440 = arith.muli %scan3A_44, %mul3A_439 : i32
      %get3A_441 = arith.index_cast %mul3A_440 : i32 to index
      %get3A_442 = tpu.vector_load %arg15[%get3A_441] {strides = array<i32>} : memref<512xf32, #tpu.memory_space<vmem>>, vector<16xf32>,
      %add3A_443 = arith.addf %add3A_438, %get3A_442 : vector<16xf32>
      %add3A_444 = arith.addf %add3A_443, %get3A_37 : vector<16xf32>
      %neg3A = arith.constant 0.000000e+00 : f32
      %neg3A_445 = vector.broadcast %neg3A : f32 to vector<16xf32>
      %neg3A_446 = arith.subf %neg3A_445, %add3A_444 : vector<16xf32>
      %exp3A = math.exp %neg3A_446 : vector<16xf32>
      %add3A_447 = arith.constant 1.000000e+00 : f32
      %add3A_448 = vector.broadcast %add3A_447 : f32 to vector<16xf32>
      %add3A_449 = arith.addf %add3A_448, %exp3A : vector<16xf32>
      %div3A = arith.constant 1.000000e+00 : f32
      %div3A_450 = vector.broadcast %div3A : f32 to vector<16xf32>
      %div3A_451 = arith.divf %div3A_450, %add3A_449 : vector<16xf32>
      %mul3A_452 = arith.constant 16 : i32
      %mul3A_453 = arith.muli %scan3A_44, %mul3A_452 : i32
      %swap3A = arith.index_cast %mul3A_453 : i32 to index
      %swap3A_454 = tpu.vector_load %arg16[%swap3A] {strides = array<i32>} : memref<512xf32, #tpu.memory_space<vmem>>, vector<16xf32>,
      tpu.vector_store %arg16[%swap3A], %div3A_451 {strides = array<i32>} : memref<512xf32, #tpu.memory_space<vmem>>, vector<16xf32>,
      %scan3A_455 = arith.constant 0 : i32
      scf.yield %scan3A_455 : i32
    }
    %scan3A_43 = arith.constant 32 : i32
    "tpu.region"() ({
      %run_scoped3A = tpu.sem_alloc : memref<!tpu.dma_semaphore, #tpu.memory_space<semaphore_mem>>
      %dma_start3A_44 = tpu.memref_slice %arg9[%mul3A_2] : memref<16384xf32, #tpu.memory_space<hbm>> -> memref<512xf32, #tpu.memory_space<hbm>>
      %dma_start3A_45 = tpu.memref_slice %arg9[%mul3A_2] : memref<16384xf32, #tpu.memory_space<hbm>> -> memref<512xf32, #tpu.memory_space<hbm>>
      tpu.enqueue_dma source(%arg16 : memref<512xf32, #tpu.memory_space<vmem>>) target(%dma_start3A_45 : memref<512xf32, #tpu.memory_space<hbm>>) target_semaphore(%run_scoped3A : memref<!tpu.dma_semaphore, #tpu.memory_space<semaphore_mem>>)
      %dma_wait3A_46 = tpu.memref_slice %arg9[%mul3A_2] : memref<16384xf32, #tpu.memory_space<hbm>> -> memref<512xf32, #tpu.memory_space<hbm>>
      %dma_wait3A_47 = tpu.memref_slice %arg9[%mul3A_2] : memref<16384xf32, #tpu.memory_space<hbm>> -> memref<512xf32, #tpu.memory_space<hbm>>
      tpu.wait_dma2 semaphore(%run_scoped3A : memref<!tpu.dma_semaphore, #tpu.memory_space<semaphore_mem>>) src(%arg16 : memref<512xf32, #tpu.memory_space<vmem>>) dst(%dma_wait3A_47 : memref<512xf32, #tpu.memory_space<hbm>>)
      tpu.yield
    }) : () -> ()
    return
  }
}

</mosaic_0001>

<sc_bundles>
// kernel: kernel.3.cloned.1.call-start
scs
__scs_entry_jumppad:
0x0: {  	(pc) =	sbr.rel $0x88, $3  }
0x1: {  	(tag) =	ssettag $0x0;
	lr =	simm.s32 $0x1  }
0x2: {  	[smem:$0x3F9A] =	sst lr;
	_ =	strace $0xD0000000  }
0x3: {  	_ = 	snop  }
0x4: {  	_ = 	snop  }
0x5: {  	_ = 	snop  }
0x6: {  	_ = 	snop  }
0x7: {  	_ = 	snop  }
__scs_overlays_trampoline_lowered:
0x8: {  	[smem:$0x3FA9] =	sst s0  }
0x9: {  	[smem:$0x3FAA] =	sst s1  }
0xa: {  	[smem:$0x3FAB] =	sst s2  }
0xb: {  	[smem:$0x3FAC] =	sst s3  }
0xc: {  	[smem:$0x3FAD] =	sst s4  }
0xd: {  	[smem:$0x3FAE] =	sst s5  }
0xe: {  	[smem:$0x3FAF] =	sst s6  }
0xf: {  	[smem:$0x3FB0] =	sst s7  }
0x10: {  	[smem:$0x3FB1] =	sst s8  }
0x11: {  	[smem:$0x3FB2] =	sst s9;
	s0 =	simm.s32 @!p0 $0x0  }
0x12: {  	s1 =	sld [smem:$0x3F98];
	s0 =	simm.s32 @p0 $0x1  }
0x13: {  	[smem:$0x3FB3] =	sst s0;
	s0 =	simm.s32 @!p1 $0x0  }
0x14: {  	s2 =	sld [smem:$0x3F97];
	s0 =	simm.s32 @p1 $0x1  }
0x15: {  	[smem:$0x3FB4] =	sst s0;
	s0 =	simm.s32 @!p2 $0x0  }
0x16: {  	s3 =	sld [smem:$0x3FDB];
	s0 =	simm.s32 @p2 $0x1  }
0x17: {  	s4 =	simm.s32 $0x1BF5;
	[smem:$0x3FB6] =	sst s0  }
0x18: {  	s0 =	sld [smem:$0x3F99];
	_ =	swait.ge [sflag:s4], $0x0  }
0x19: {  	s7 =	sld [smem:$0x3F9A]  }
0x1a: {  	s8 =	sadd.s32 $0xFFFFE003, lr  }
0x1b: {  	s9 =	sadd.s32 $0xFFFFFEF7, lr;
	s5 =	simm.s32 $0xFFFFFFFF;
	p2 =	slt.u32 s8, $0xFFFFF086  }
0x1c: {  	p1 =	slt.u32 s9, $0xF7A;
	s5 =	simm.s32 @!p2 $0x0  }
0x1d: {  	s5 =	simm.s32 @p1 $0x1;
	p0 =	seq.s32 s7, s2  }
0x1e: {  	s7 =	smul.u32 @!p0 $0xF7A, s2;
	p2 =	seq.s32 @!p0 s5, $0x0  }
0x1f: {  	s9 =	smul.u32 $0xF7A, s1;
	s8 =	simm.s32 @!p0 $0x1BF5;
	p2 =	por !p2, p0  }
0x20: {  	[sflag:s8] =	ssyncset.s32 @!p0 $0xFFFFF086;
	s6 =	sadd.s32 @!p0 s3, s7;
	s7 =	simm.s32 @!p0 $0x108  }
0x21: {  	s3 =	sadd.s32 s3, s9;
	s6 =	sadd.s32 @!p0 $0x88, s6;
	s7 =	simm.s32 @p2 $0x1082  }
0x22: {  	[simem:s7], [sflag:s8] =	dma.local @!p0 [hbm:s6], $0xF7A  }
0x23: {  	s9 =	sor.u32 $0xD0000000, s2;
	s6 =	simm.s32 $0x108;
	_ =	swait.ge @!p0 [sflag:s8], $0x0  }
0x24: {  	s3 =	sadd.s32 $0x88, s3;
	s6 =	simm.s32 @!p1 $0x1082;
	[sflag:s4] =	ssyncset.s32 $0xFFFFF086  }
0x25: {  	[simem:s6], [sflag:s4] =	dma.local [hbm:s3], $0xF7A  }
0x26: {  	[smem:$0x3F9A] =	sst s1;
	(tag) =	ssettag s2;
	_ =	strace s9  }
0x27: {  	s1 =	sld [smem:$0x3FAA]  }
0x28: {  	s2 =	sld [smem:$0x3FAB]  }
0x29: {  	s4 =	sld [smem:$0x3FAD]  }
0x2a: {  	p0 =	seq.s32 s5, $0x0;
	s5 =	sld [smem:$0x3FAE]  }
0x2b: {  	s6 =	sld [smem:$0x3FAF]  }
0x2c: {  	s7 =	sld [smem:$0x3FB0]  }
0x2d: {  	s3 =	simm.s32 $0x108;
	s8 =	sld [smem:$0x3FB1]  }
0x2e: {  	s3 =	simm.s32 @!p0 $0x1082;
	s9 =	sld [smem:$0x3FB2]  }
0x2f: {  	lr =	sadd.s32 s0, s3;
	s0 =	sld [smem:$0x3FA9]  }
0x30: {  	s3 =	sld [smem:$0x3FAC]  }
0x31: {  	[smem:$0x3FB5] =	sst s10  }
0x32: {  	s10 =	sld [smem:$0x3FB3];
	_ =	sdelay $0x3  }
0x33: {  	p0 =	seq.s32 s10, $0x1;
	s10 =	sld [smem:$0x3FB5];
	_ =	sdelay $0x3  }
0x34: {  	[smem:$0x3FB5] =	sst s10  }
0x35: {  	s10 =	sld [smem:$0x3FB4];
	_ =	sdelay $0x3  }
0x36: {  	p1 =	seq.s32 s10, $0x1;
	s10 =	sld [smem:$0x3FB5];
	_ =	sdelay $0x3  }
0x37: {  	[smem:$0x3FB5] =	sst s10  }
0x38: {  	s10 =	sld [smem:$0x3FB6]  }
0x39: {  	_ = 	snop;
	(pc) =	sbr.ind lr, $3  }
0x3a: {  	_ = 	snop  }
0x3b: {  	_ = 	snop  }
0x3c: {  	p2 =	seq.s32 s10, $0x1;
	s10 =	sld [smem:$0x3FB5]  }
0x3d: {  	_ =	shalt  }
0x3e: {  	_ =	shalt  }
0x3f: {  	_ =	shalt  }
0x40: {  	_ =	shalt  }
0x41: {  	_ =	shalt  }
0x42: {  	_ =	shalt  }
0x43: {  	_ =	shalt  }
0x44: {  	_ =	shalt  }
0x45: {  	_ =	shalt  }
0x46: {  	_ =	shalt  }
0x47: {  	_ =	shalt  }
0x48: {  	_ =	shalt  }
0x49: {  	_ =	shalt  }
0x4a: {  	_ =	shalt  }
0x4b: {  	_ =	shalt  }
0x4c: {  	_ =	shalt  }
0x4d: {  	_ =	shalt  }
0x4e: {  	_ =	shalt  }
0x4f: {  	_ =	shalt  }
0x50: {  	_ =	shalt  }
0x51: {  	_ =	shalt  }
0x52: {  	_ =	shalt  }
0x53: {  	_ =	shalt  }
0x54: {  	_ =	shalt  }
0x55: {  	_ =	shalt  }
0x56: {  	_ =	shalt  }
0x57: {  	_ =	shalt  }
0x58: {  	_ =	shalt  }
0x59: {  	_ =	shalt  }
0x5a: {  	_ =	shalt  }
0x5b: {  	_ =	shalt  }
0x5c: {  	_ =	shalt  }
0x5d: {  	_ =	shalt  }
0x5e: {  	_ =	shalt  }
0x5f: {  	_ =	shalt  }
0x60: {  	_ =	shalt  }
0x61: {  	_ =	shalt  }
0x62: {  	_ =	shalt  }
0x63: {  	_ =	shalt  }
0x64: {  	_ =	shalt  }
0x65: {  	_ =	shalt  }
0x66: {  	_ =	shalt  }
0x67: {  	_ =	shalt  }
0x68: {  	_ =	shalt  }
0x69: {  	_ =	shalt  }
0x6a: {  	_ =	shalt  }
0x6b: {  	_ =	shalt  }
0x6c: {  	_ =	shalt  }
0x6d: {  	_ =	shalt  }
0x6e: {  	_ =	shalt  }
0x6f: {  	_ =	shalt  }
0x70: {  	_ =	shalt  }
0x71: {  	_ =	shalt  }
0x72: {  	_ =	shalt  }
0x73: {  	_ =	shalt  }
0x74: {  	_ =	shalt  }
0x75: {  	_ =	shalt  }
0x76: {  	_ =	shalt  }
0x77: {  	_ =	shalt  }
0x78: {  	_ =	shalt  }
0x79: {  	_ =	shalt  }
0x7a: {  	_ =	shalt  }
0x7b: {  	_ =	shalt  }
0x7c: {  	_ =	shalt  }
0x7d: {  	_ =	shalt  }
0x7e: {  	_ =	shalt  }
0x7f: {  	_ =	shalt  }
0x80: {  	_ =	shalt  }
0x81: {  	_ =	shalt  }
0x82: {  	_ =	shalt  }
0x83: {  	_ =	shalt  }
0x84: {  	_ =	shalt  }
0x85: {  	_ =	shalt  }
0x86: {  	_ =	shalt  }
0x87: {  	_ =	shalt  }
.Lfunc_end0:
.L_simem_size_0:
called_computation_lowered:
.L_overlay_start_0:
0x88: {  	s2 =	sld [smem:$0x3FD9]  }
0x89: {  	s3 =	sld [smem:$0x3FFE];
	_ =	sdelay $0x1  }
0x8a: {  	s1 =	srdreg.scid  }
0x8b: {  	s0 =	sand.u32 $0x1, s1  }
0x8c: {  	s17 =	sshll.u32 s0, $0xA;
	s2 =	sadd.s32 s3, s2  }
0x8d: {  	s2 =	sadd.s32 s2, s17  }
0x8e: {  	[smem:$0x3FC1] =	sst s2  }
0x8f: {  	_ = 	snop  }
0x90: {  	s2 =	sld [smem:$0x3FC9]  }
0x91: {  	s18 =	sld [smem:$0x3FC8]  }
0x92: {  	s4 =	sld [smem:$0x3FD0];
	(tm) =	ssettm $0x1  }
0x93: {  	s5 =	sld [smem:$0x3FFB];
	_ =	sdelay $0x3  }
0x94: {  	_ =	strace s5  }
0x95: {  	s5 =	sld [smem:$0x3FFC];
	_ =	sdelay $0x3  }
0x96: {  	_ =	strace s5  }
0x97: {  	s5 =	sld [smem:$0x3FFD];
	_ =	sdelay $0x3  }
0x98: {  	_ =	strace s5  }
0x99: {  	_ =	strace $0x8FFFFFFF  }
0x9a: {  	s19 =	sld [smem:$0x3FDB];
	_ =	sdelay $0x1  }
0x9b: {  	s6 =	simm.s32 $_scs_section_size  }
0x9c: {  	s7 =	simm.s32 $_size__tile_overlayer_lowered;
	s8 =	simm.s32 $_tile_overlayer_lowered  }
0x9d: {  	s22 =	simm.s32 $0x1BFF;
	s21 =	sshll.u32 s8, $0x1;
	s5 =	sadd.s32 s6, s19  }
0x9e: {  	s9 =	simm.s32 $0x0;
	s20 =	sshll.u32 s7, $0x1;
	s7 =	sadd.s32 s21, s5  }
0x9f: {  	[timem:s9], [sflag:s22] =	dma.local [hbm:s7], s20  }
0xa0: {  	_ =	swait.ge [sflag:s22], s20  }
0xa1: {  	s6 =	ssub.s32 $0x0, s20;
	[sflag:s22] =	ssyncset.done $0x0  }
0xa2: {  	[sflag:s22] =	ssyncadd.s32 s6;
	_ =	sdelay $0x1  }
0xa3: {  	s23 =	simm.s32 $0x1B8B  }
0xa4: {  	_ =	swait.ge [sflag:s23], $0x1  }
0xa5: {  	[sflag:s23] =	ssyncset.done $0x0  }
0xa6: {  	s25 =	simm.s32 $0x1B8E;
	s24 =	sld [smem:$0x3FFE];
	[sflag:s23] =	ssyncadd.s32 $0xFFFFFFFF  }
0xa7: {  	s26 =	simm.s32 $execute0_lowered;
	[smem:$0x3FD2] =	sst s25  }
0xa8: {  	s7 =	sshll.u32 s26, $0x1;
	_ =	strace $0x80000046;
	[dreg:$0x1] =	wrdreg $0xFFFFFFFF  }
0xa9: {  	s28 =	simm.s32 $_size_execute0_lowered;
	s5 =	sadd.s32 s5, s7;
	[dreg:$0x0] =	wrdreg $0x0  }
0xaa: {  	s7 =	sshll.u32 s28, $0x1;
	[dreg:$0x2] =	wrdreg s5  }
0xab: {  	[dreg:$0x3] =	wrdreg s7  }
0xac: {  	[dreg:$0x4] =	wrdreg $0xC0  }
0xad: {  	_ =	task [dreg:s9], $0x5FFFF  }
0xae: {  	[dreg:$0x1] =	wrdreg $0xFFFFFFFF  }
0xaf: {  	[dreg:$0x0] =	wrdreg $0x60  }
0xb0: {  	[dreg:$0x2] =	wrdreg s2  }
0xb1: {  	[dreg:$0x3] =	wrdreg s18  }
0xb2: {  	[dreg:$0x4] =	wrdreg s24  }
0xb3: {  	[dreg:$0x5] =	wrdreg s4  }
0xb4: {  	[dreg:$0x6] =	wrdreg $0x9  }
0xb5: {  	_ =	task.clear_ibuf [dreg:s9], $0x7FFFF;
	_ =	strace $0x90000046  }
0xb6: {  	s29 =	simm.s32 $0x9;
	_ =	strace $0x80000048  }
0xb7: {  	_ =	swait.ge [sflag:s29], $0x1  }
0xb8: {  	[sflag:s29] =	ssyncadd.s32 $0xFFFFFFFF  }
0xb9: {  	_ =	strace $0x90000048  }
0xba: {  	_ =	sfence  }
0xbb: {  	s30 =	sld [smem:$0x0];
	_ =	sdelay $0x2  }
0xbc: {  	s31 =	sshll.u32 s1, $0xD;
	s1 =	sshrl.u32 s1, $0x2  }
0xbd: {  	s3 =	sand.u32 $0x4000, s31;
	s1 =	sadd.s32 s1, s30  }
0xbe: {  	s0 =	sor.u32 s3, s0;
	s1 =	sshll.u32 s1, $0x11  }
0xbf: {  	s0 =	sor.u32 s1, s0  }
0xc0: {  	s0 =	sadd.s32 $0x8F2B, s0  }
0xc1: {  	[sflag:s0] =	ssyncadd.remote.s32 $0x1  }
0xc2: {  	_ =	sfence.sel $0xFFFF  }
0xc3: {  	[dreg:$0x0] =	wrdreg $0xFFFFFFFF;
	(pc) =	sbr.abs _section_cstart, $3  }
0xc4: {  	[dreg:$0x1] =	wrdreg $0xFFFFFFFF  }
0xc5: {  	_ =	task.clear_ibuf [dreg:s9], $0x2FFFF;
	_ =	strace $0x9FFFFFFF  }
0xc6: {  	(tm) =	ssettm $0x7FFFFFFF  }
0xc7: {  	_ =	shalt  }
tec
execute0_lowered:
.L_overlay_start_1:
0x0: {  	(tag) =	ssettag $0x1  }
0x1: {  	s8 =	rddreg [dreg:$0x0]  }
0x2: {  	s9 =	rddreg [dreg:$0x1]  }
0x3: {  	s1 =	rddreg [dreg:$0x2]  }
0x4: {  	s10 =	rddreg [dreg:$0x3]  }
0x5: {  	s0 =	rddreg [dreg:$0x4];
	s2 =	simm.s32 $0x0  }
0x6: {  	s3 =	srdreg.scid;
	s15 =	simm.s32 $0x8400;
	s16 =	simm.s32 $0x10A00  }
0x7: {  	s17 =	simm.s32 $0x1;
	s18 =	simm.s32 $0x10800;
	[smem:$0x7FF] =	sst s2  }
0x8: {  	s19 =	simm.s32 $0x0;
	s4 =	sadd.s32 $0x16E3600, s1;
	s5 =	sadd.s32 $0xF42400, s1  }
0x9: {  	s7 =	sand.u32 $0x1, s3;
	s6 =	sadd.s32 $0x1EA00, s1;
	s3 =	stileid.u32  }
0xa: {  	_ =	strace $0x80000047;
	s11 =	ssub.s32 $0x2, s7;
	s13 =	sshll.u32 s3, $0x7  }
0xb: {  	s14 =	sshll.u32 s7, $0x6;
	s7 =	sadd.s32 $0x3D400, s1;
	s12 =	sshrl.u32 s11, $0x1  }
0xc: {  	v0 =	vlaneseq.u32;
	s31 =	sor.u32 s14, s13;
	s13 =	simm.s32 $0x200;
	s14 =	simm.s32 $0x400  }
0xd: {  	v0 =	vmul.u32 $0x40, v0;
	s11 =	ssub.s32 s11, s12;
	s8 =	sadd.s32 s8, s31;
	s9 =	sadd.s32 s9, s31  }
0xe: {  	s10 =	sadd.s32 s10, s31;
	s12 =	simm.s32 $0x2;
	s11 =	smax.u32 s11, $0x1  }
.LBB2_1:
0xf: {  	[tilespmem:s2], [sflag:$0x2] =	stream.linear.gather [hbm4b:s8+s2], $0x200, $0x38;
	[tilespmem:$0x10A10] =	vst v63  }
0x10: {  	_ =	swait.ge [sflag:s12], $0x200  }
0x11: {  	[sflag:s12] =	ssyncset.done $0x0  }
0x12: {  	[sflag:s12] =	ssyncadd.s32 $0xFFFFFE00  }
0x13: {  	[tilespmem:s13], [sflag:$0x2] =	stream.linear.gather [hbm4b:s9+s2], $0x200, $0x38;
	[tilespmem:$0x10A10] =	vst v63  }
0x14: {  	_ =	swait.ge [sflag:s12], $0x200  }
0x15: {  	[sflag:s12] =	ssyncset.done $0x0  }
0x16: {  	[sflag:s12] =	ssyncadd.s32 $0xFFFFFE00  }
0x17: {  	[tilespmem:s14], [sflag:$0x1] =	stream.indirect.gather [hbm4b:s4+s13], $0x40, s2, s13, $0xb8;
	[tilespmem:$0x10A10] =	vst v63  }
0x18: {  	_ = 	snop  }
0x19: {  	[tilespmem:s15], [sflag:$0x1] =	stream.indirect.gather [hbm4b:s5+s13], $0x40, s13, s13, $0xb8;
	[tilespmem:$0x10A10] =	vst v63  }
0x1a: {  	s21 =	simm.s32 $0x10400  }
0x1b: {  	[tilespmem:s21], [sflag:$0x1] =	stream.indirect.gather [hbm4b:s6+s13], $0x1, s2, s13, $0xb8;
	[tilespmem:$0x10A10] =	vst v63  }
0x1c: {  	s20 =	simm.s32 $0x10600  }
0x1d: {  	[tilespmem:s20], [sflag:$0x1] =	stream.indirect.gather [hbm4b:s1+s13], $0x1, s13, s13, $0xb8;
	[tilespmem:$0x10A10] =	vst v63  }
0x1e: {  	_ = 	snop  }
0x1f: {  	[tilespmem:s16], [sflag:$0x2] =	stream.linear.gather [hbm4b:s7+s2], $0x10, $0x38;
	[tilespmem:$0x10A10] =	vst v63  }
0x20: {  	_ =	swait.ge [sflag:s12], $0x10  }
0x21: {  	[sflag:s12] =	ssyncset.done $0x0  }
0x22: {  	[sflag:s12] =	ssyncadd.s32 $0xFFFFFFF0  }
0x23: {  	_ =	swait.ge [sflag:s17], $0x8000  }
0x24: {  	[sflag:s17] =	ssyncset.done $0x0  }
0x25: {  	[sflag:s17] =	ssyncadd.s32 $0xFFFF8000  }
0x26: {  	_ =	swait.ge [sflag:s17], $0x8000  }
0x27: {  	[sflag:s17] =	ssyncset.done $0x0  }
0x28: {  	v1 =	vmov s2;
	[sflag:s17] =	ssyncadd.s32 $0xFFFF8000  }
0x29: {  	v1 =	vshll.u32 v1, $0x6;
	_ =	swait.ge [sflag:s17], $0x200  }
0x2a: {  	v1 =	vor.u32 v0, v1;
	[sflag:s17] =	ssyncset.done $0x0  }
0x2b: {  	[sflag:s17] =	ssyncadd.s32 $0xFFFFFE00  }
0x2c: {  	v2 =	vor.u32 $0x1, v1;
	_ =	swait.ge [sflag:s17], $0x200  }
0x2d: {  	[sflag:s17] =	ssyncset.done $0x0  }
0x2e: {  	v3 =	vor.u32 $0x2, v1;
	[sflag:s17] =	ssyncadd.s32 $0xFFFFFE00  }
0x2f: {  	v4 =	vld.idx.msk [tilespmem:v1+s15+$0x0], $0xffff  }
0x30: {  	v6 =	vor.u32 $0x3, v1;
	v5 =	vld.idx.msk [tilespmem:v1+s14+$0x0], $0xffff  }
0x31: {  	v7 =	vld.idx.msk [tilespmem:v2+s14+$0x0], $0xffff  }
0x32: {  	v8 =	vor.u32 $0x4, v1;
	v2 =	vld.idx.msk [tilespmem:v2+s15+$0x0], $0xffff  }
0x33: {  	v9 =	vld.idx.msk [tilespmem:v3+s14+$0x0], $0xffff  }
0x34: {  	v10 =	vor.u32 $0x5, v1;
	v3 =	vld.idx.msk [tilespmem:v3+s15+$0x0], $0xffff  }
0x35: {  	v11 =	vld.idx.msk [tilespmem:v6+s14+$0x0], $0xffff;
	v4 =	vmul.f32 v4, v5  }
0x36: {  	v25 =	vor.u32 $0x6, v1;
	v24 =	vld.idx.msk [tilespmem:v6+s15+$0x0], $0xffff  }
0x37: {  	v12 =	vld.idx.msk [tilespmem:v8+s14+$0x0], $0xffff;
	v2 =	vmul.f32 v2, v7;
	v4 =	vadd.f32 $0.0e+00, v4  }
0x38: {  	v27 =	vor.u32 $0x7, v1;
	v26 =	vld.idx.msk [tilespmem:v8+s15+$0x0], $0xffff  }
0x39: {  	v13 =	vld.idx.msk [tilespmem:v10+s14+$0x0], $0xffff;
	v3 =	vmul.f32 v3, v9;
	v2 =	vadd.f32 v2, v4  }
0x3a: {  	v29 =	vor.u32 $0x8, v1;
	v28 =	vld.idx.msk [tilespmem:v10+s15+$0x0], $0xffff  }
0x3b: {  	v30 =	vld.idx.msk [tilespmem:v25+s14+$0x0], $0xffff;
	v2 =	vadd.f32 v3, v2;
	v3 =	vmul.f32 v24, v11  }
0x3c: {  	v32 =	vor.u32 $0x9, v1;
	v31 =	vld.idx.msk [tilespmem:v25+s15+$0x0], $0xffff  }
0x3d: {  	v33 =	vld.idx.msk [tilespmem:v27+s14+$0x0], $0xffff;
	v2 =	vadd.f32 v3, v2;
	v3 =	vmul.f32 v26, v12  }
0x3e: {  	v35 =	vor.u32 $0xA, v1;
	v34 =	vld.idx.msk [tilespmem:v27+s15+$0x0], $0xffff  }
0x3f: {  	v36 =	vld.idx.msk [tilespmem:v29+s14+$0x0], $0xffff;
	v2 =	vadd.f32 v3, v2;
	v3 =	vmul.f32 v28, v13  }
0x40: {  	v38 =	vor.u32 $0xB, v1;
	v37 =	vld.idx.msk [tilespmem:v29+s15+$0x0], $0xffff  }
0x41: {  	v39 =	vld.idx.msk [tilespmem:v32+s14+$0x0], $0xffff;
	v2 =	vadd.f32 v3, v2;
	v3 =	vmul.f32 v31, v30  }
0x42: {  	v41 =	vor.u32 $0xC, v1;
	v40 =	vld.idx.msk [tilespmem:v32+s15+$0x0], $0xffff  }
0x43: {  	v42 =	vld.idx.msk [tilespmem:v35+s14+$0x0], $0xffff;
	v2 =	vadd.f32 v3, v2;
	v3 =	vmul.f32 v34, v33  }
0x44: {  	v44 =	vor.u32 $0xD, v1;
	v43 =	vld.idx.msk [tilespmem:v35+s15+$0x0], $0xffff  }
0x45: {  	v45 =	vld.idx.msk [tilespmem:v38+s14+$0x0], $0xffff;
	v2 =	vadd.f32 v3, v2;
	v3 =	vmul.f32 v37, v36  }
0x46: {  	v47 =	vor.u32 $0xE, v1;
	v46 =	vld.idx.msk [tilespmem:v38+s15+$0x0], $0xffff  }
0x47: {  	v48 =	vld.idx.msk [tilespmem:v41+s14+$0x0], $0xffff;
	v2 =	vadd.f32 v3, v2;
	v3 =	vmul.f32 v40, v39  }
0x48: {  	v50 =	vor.u32 $0xF, v1;
	v49 =	vld.idx.msk [tilespmem:v41+s15+$0x0], $0xffff  }
0x49: {  	v51 =	vld.idx.msk [tilespmem:v44+s14+$0x0], $0xffff;
	v2 =	vadd.f32 v3, v2;
	v3 =	vmul.f32 v43, v42  }
0x4a: {  	v53 =	vor.u32 $0x10, v1;
	v52 =	vld.idx.msk [tilespmem:v44+s15+$0x0], $0xffff  }
0x4b: {  	v54 =	vld.idx.msk [tilespmem:v47+s14+$0x0], $0xffff;
	v2 =	vadd.f32 v3, v2;
	v3 =	vmul.f32 v46, v45  }
0x4c: {  	v56 =	vor.u32 $0x11, v1;
	v55 =	vld.idx.msk [tilespmem:v47+s15+$0x0], $0xffff  }
0x4d: {  	v57 =	vld.idx.msk [tilespmem:v50+s14+$0x0], $0xffff;
	v2 =	vadd.f32 v3, v2;
	v3 =	vmul.f32 v49, v48  }
0x4e: {  	v59 =	vor.u32 $0x12, v1;
	v58 =	vld.idx.msk [tilespmem:v50+s15+$0x0], $0xffff  }
0x4f: {  	v60 =	vld.idx.msk [tilespmem:v53+s14+$0x0], $0xffff;
	v2 =	vadd.f32 v3, v2;
	v3 =	vmul.f32 v52, v51  }
0x50: {  	v62 =	vor.u32 $0x13, v1;
	v61 =	vld.idx.msk [tilespmem:v53+s15+$0x0], $0xffff  }
0x51: {  	v63 =	vld.idx.msk [tilespmem:v56+s14+$0x0], $0xffff;
	v2 =	vadd.f32 v3, v2;
	v3 =	vmul.f32 v55, v54  }
0x52: {  	v17 =	vor.u32 $0x14, v1;
	v16 =	vld.idx.msk [tilespmem:v56+s15+$0x0], $0xffff  }
0x53: {  	v18 =	vld.idx.msk [tilespmem:v59+s14+$0x0], $0xffff;
	v2 =	vadd.f32 v3, v2;
	v3 =	vmul.f32 v58, v57  }
0x54: {  	v20 =	vor.u32 $0x15, v1;
	v19 =	vld.idx.msk [tilespmem:v59+s15+$0x0], $0xffff  }
0x55: {  	v21 =	vld.idx.msk [tilespmem:v62+s14+$0x0], $0xffff;
	v2 =	vadd.f32 v3, v2;
	v3 =	vmul.f32 v61, v60  }
0x56: {  	v23 =	vor.u32 $0x16, v1;
	v22 =	vld.idx.msk [tilespmem:v62+s15+$0x0], $0xffff  }
0x57: {  	v25 =	vld.idx.msk [tilespmem:v17+s15+$0x0], $0xffff;
	v2 =	vadd.f32 v3, v2;
	v3 =	vmul.f32 v16, v63  }
0x58: {  	v24 =	vld.idx.msk [tilespmem:v17+s14+$0x0], $0xffff;
	v26 =	vor.u32 $0x17, v1  }
0x59: {  	v27 =	vld.idx.msk [tilespmem:v20+s14+$0x0], $0xffff;
	v2 =	vadd.f32 v3, v2;
	v3 =	vmul.f32 v19, v18  }
0x5a: {  	v29 =	vor.u32 $0x18, v1;
	v28 =	vld.idx.msk [tilespmem:v20+s15+$0x0], $0xffff  }
0x5b: {  	v30 =	vld.idx.msk [tilespmem:v23+s14+$0x0], $0xffff;
	v2 =	vadd.f32 v3, v2;
	v3 =	vmul.f32 v22, v21  }
0x5c: {  	v32 =	vor.u32 $0x19, v1;
	v31 =	vld.idx.msk [tilespmem:v23+s15+$0x0], $0xffff  }
0x5d: {  	v33 =	vld.idx.msk [tilespmem:v26+s14+$0x0], $0xffff;
	v2 =	vadd.f32 v3, v2;
	v3 =	vmul.f32 v25, v24  }
0x5e: {  	v35 =	vor.u32 $0x1A, v1;
	v34 =	vld.idx.msk [tilespmem:v26+s15+$0x0], $0xffff  }
0x5f: {  	v36 =	vld.idx.msk [tilespmem:v29+s14+$0x0], $0xffff;
	v2 =	vadd.f32 v3, v2;
	v3 =	vmul.f32 v28, v27  }
0x60: {  	v38 =	vor.u32 $0x1B, v1;
	v37 =	vld.idx.msk [tilespmem:v29+s15+$0x0], $0xffff  }
0x61: {  	v39 =	vld.idx.msk [tilespmem:v32+s14+$0x0], $0xffff;
	v2 =	vadd.f32 v3, v2;
	v3 =	vmul.f32 v31, v30  }
0x62: {  	v41 =	vor.u32 $0x1C, v1;
	v40 =	vld.idx.msk [tilespmem:v32+s15+$0x0], $0xffff  }
0x63: {  	v42 =	vld.idx.msk [tilespmem:v35+s14+$0x0], $0xffff;
	v2 =	vadd.f32 v3, v2;
	v3 =	vmul.f32 v34, v33  }
0x64: {  	v44 =	vor.u32 $0x1D, v1;
	v43 =	vld.idx.msk [tilespmem:v35+s15+$0x0], $0xffff  }
0x65: {  	v45 =	vld.idx.msk [tilespmem:v38+s14+$0x0], $0xffff;
	v2 =	vadd.f32 v3, v2;
	v3 =	vmul.f32 v37, v36  }
0x66: {  	v47 =	vor.u32 $0x1E, v1;
	v46 =	vld.idx.msk [tilespmem:v38+s15+$0x0], $0xffff  }
0x67: {  	v48 =	vld.idx.msk [tilespmem:v41+s14+$0x0], $0xffff;
	v2 =	vadd.f32 v3, v2;
	v3 =	vmul.f32 v40, v39  }
0x68: {  	v50 =	vor.u32 $0x1F, v1;
	v49 =	vld.idx.msk [tilespmem:v41+s15+$0x0], $0xffff  }
0x69: {  	v51 =	vld.idx.msk [tilespmem:v44+s14+$0x0], $0xffff;
	v2 =	vadd.f32 v3, v2;
	v3 =	vmul.f32 v43, v42  }
0x6a: {  	v53 =	vor.u32 $0x20, v1;
	v52 =	vld.idx.msk [tilespmem:v44+s15+$0x0], $0xffff  }
0x6b: {  	v54 =	vld.idx.msk [tilespmem:v47+s14+$0x0], $0xffff;
	v2 =	vadd.f32 v3, v2;
	v3 =	vmul.f32 v46, v45  }
0x6c: {  	v56 =	vor.u32 $0x21, v1;
	v55 =	vld.idx.msk [tilespmem:v47+s15+$0x0], $0xffff  }
0x6d: {  	v57 =	vld.idx.msk [tilespmem:v50+s14+$0x0], $0xffff;
	v2 =	vadd.f32 v3, v2;
	v3 =	vmul.f32 v49, v48  }
0x6e: {  	v59 =	vor.u32 $0x22, v1;
	v58 =	vld.idx.msk [tilespmem:v50+s15+$0x0], $0xffff  }
0x6f: {  	v60 =	vld.idx.msk [tilespmem:v53+s14+$0x0], $0xffff;
	v2 =	vadd.f32 v3, v2;
	v3 =	vmul.f32 v52, v51  }
0x70: {  	v62 =	vor.u32 $0x23, v1;
	v61 =	vld.idx.msk [tilespmem:v53+s15+$0x0], $0xffff  }
0x71: {  	v63 =	vld.idx.msk [tilespmem:v56+s14+$0x0], $0xffff;
	v2 =	vadd.f32 v3, v2;
	v3 =	vmul.f32 v55, v54  }
0x72: {  	v17 =	vor.u32 $0x24, v1;
	v16 =	vld.idx.msk [tilespmem:v56+s15+$0x0], $0xffff  }
0x73: {  	v18 =	vld.idx.msk [tilespmem:v59+s14+$0x0], $0xffff;
	v2 =	vadd.f32 v3, v2;
	v3 =	vmul.f32 v58, v57  }
0x74: {  	v20 =	vor.u32 $0x25, v1;
	v19 =	vld.idx.msk [tilespmem:v59+s15+$0x0], $0xffff  }
0x75: {  	v21 =	vld.idx.msk [tilespmem:v62+s14+$0x0], $0xffff;
	v2 =	vadd.f32 v3, v2;
	v3 =	vmul.f32 v61, v60  }
0x76: {  	v23 =	vor.u32 $0x26, v1;
	v22 =	vld.idx.msk [tilespmem:v62+s15+$0x0], $0xffff  }
0x77: {  	v24 =	vld.idx.msk [tilespmem:v17+s14+$0x0], $0xffff;
	v2 =	vadd.f32 v3, v2;
	v3 =	vmul.f32 v16, v63  }
0x78: {  	v26 =	vor.u32 $0x27, v1;
	v25 =	vld.idx.msk [tilespmem:v17+s15+$0x0], $0xffff  }
0x79: {  	v27 =	vld.idx.msk [tilespmem:v20+s14+$0x0], $0xffff;
	v2 =	vadd.f32 v3, v2;
	v3 =	vmul.f32 v19, v18  }
0x7a: {  	v29 =	vor.u32 $0x28, v1;
	v28 =	vld.idx.msk [tilespmem:v20+s15+$0x0], $0xffff  }
0x7b: {  	v30 =	vld.idx.msk [tilespmem:v23+s14+$0x0], $0xffff;
	v2 =	vadd.f32 v3, v2;
	v3 =	vmul.f32 v22, v21  }
0x7c: {  	v32 =	vor.u32 $0x29, v1;
	v31 =	vld.idx.msk [tilespmem:v23+s15+$0x0], $0xffff  }
0x7d: {  	v33 =	vld.idx.msk [tilespmem:v26+s14+$0x0], $0xffff;
	v2 =	vadd.f32 v3, v2;
	v3 =	vmul.f32 v25, v24  }
0x7e: {  	v35 =	vor.u32 $0x2A, v1;
	v34 =	vld.idx.msk [tilespmem:v26+s15+$0x0], $0xffff  }
0x7f: {  	v36 =	vld.idx.msk [tilespmem:v29+s14+$0x0], $0xffff;
	v2 =	vadd.f32 v3, v2;
	v3 =	vmul.f32 v28, v27  }
0x80: {  	v38 =	vor.u32 $0x2B, v1;
	v37 =	vld.idx.msk [tilespmem:v29+s15+$0x0], $0xffff  }
0x81: {  	v39 =	vld.idx.msk [tilespmem:v32+s14+$0x0], $0xffff;
	v2 =	vadd.f32 v3, v2;
	v3 =	vmul.f32 v31, v30  }
0x82: {  	v41 =	vor.u32 $0x2C, v1;
	v40 =	vld.idx.msk [tilespmem:v32+s15+$0x0], $0xffff  }
0x83: {  	v42 =	vld.idx.msk [tilespmem:v35+s14+$0x0], $0xffff;
	v2 =	vadd.f32 v3, v2;
	v3 =	vmul.f32 v34, v33  }
0x84: {  	v44 =	vor.u32 $0x2D, v1;
	v43 =	vld.idx.msk [tilespmem:v35+s15+$0x0], $0xffff  }
0x85: {  	v45 =	vld.idx.msk [tilespmem:v38+s14+$0x0], $0xffff;
	v2 =	vadd.f32 v3, v2;
	v3 =	vmul.f32 v37, v36  }
0x86: {  	v47 =	vor.u32 $0x2E, v1;
	v46 =	vld.idx.msk [tilespmem:v38+s15+$0x0], $0xffff  }
0x87: {  	v48 =	vld.idx.msk [tilespmem:v41+s14+$0x0], $0xffff;
	v2 =	vadd.f32 v3, v2;
	v3 =	vmul.f32 v40, v39  }
0x88: {  	v50 =	vor.u32 $0x2F, v1;
	v49 =	vld.idx.msk [tilespmem:v41+s15+$0x0], $0xffff  }
0x89: {  	v51 =	vld.idx.msk [tilespmem:v44+s14+$0x0], $0xffff;
	v2 =	vadd.f32 v3, v2;
	v3 =	vmul.f32 v43, v42  }
0x8a: {  	v53 =	vor.u32 $0x30, v1;
	v52 =	vld.idx.msk [tilespmem:v44+s15+$0x0], $0xffff  }
0x8b: {  	v54 =	vld.idx.msk [tilespmem:v47+s14+$0x0], $0xffff;
	v2 =	vadd.f32 v3, v2;
	v3 =	vmul.f32 v46, v45  }
0x8c: {  	v56 =	vor.u32 $0x31, v1;
	v55 =	vld.idx.msk [tilespmem:v47+s15+$0x0], $0xffff  }
0x8d: {  	v57 =	vld.idx.msk [tilespmem:v50+s14+$0x0], $0xffff;
	v2 =	vadd.f32 v3, v2;
	v3 =	vmul.f32 v49, v48  }
0x8e: {  	v59 =	vor.u32 $0x32, v1;
	v58 =	vld.idx.msk [tilespmem:v50+s15+$0x0], $0xffff  }
0x8f: {  	v60 =	vld.idx.msk [tilespmem:v53+s14+$0x0], $0xffff;
	v2 =	vadd.f32 v3, v2;
	v3 =	vmul.f32 v52, v51  }
0x90: {  	v62 =	vor.u32 $0x33, v1;
	v61 =	vld.idx.msk [tilespmem:v53+s15+$0x0], $0xffff  }
0x91: {  	v63 =	vld.idx.msk [tilespmem:v56+s14+$0x0], $0xffff;
	v2 =	vadd.f32 v3, v2;
	v3 =	vmul.f32 v55, v54  }
0x92: {  	v17 =	vor.u32 $0x34, v1;
	v16 =	vld.idx.msk [tilespmem:v56+s15+$0x0], $0xffff  }
0x93: {  	v18 =	vld.idx.msk [tilespmem:v59+s14+$0x0], $0xffff;
	v2 =	vadd.f32 v3, v2;
	v3 =	vmul.f32 v58, v57  }
0x94: {  	v20 =	vor.u32 $0x35, v1;
	v19 =	vld.idx.msk [tilespmem:v59+s15+$0x0], $0xffff  }
0x95: {  	v21 =	vld.idx.msk [tilespmem:v62+s14+$0x0], $0xffff;
	v2 =	vadd.f32 v3, v2;
	v3 =	vmul.f32 v61, v60  }
0x96: {  	v23 =	vor.u32 $0x36, v1;
	v22 =	vld.idx.msk [tilespmem:v62+s15+$0x0], $0xffff  }
0x97: {  	v24 =	vld.idx.msk [tilespmem:v17+s14+$0x0], $0xffff;
	v2 =	vadd.f32 v3, v2;
	v3 =	vmul.f32 v16, v63  }
0x98: {  	v26 =	vor.u32 $0x37, v1;
	v25 =	vld.idx.msk [tilespmem:v17+s15+$0x0], $0xffff  }
0x99: {  	v27 =	vld.idx.msk [tilespmem:v20+s14+$0x0], $0xffff;
	v2 =	vadd.f32 v3, v2;
	v3 =	vmul.f32 v19, v18  }
0x9a: {  	v29 =	vor.u32 $0x38, v1;
	v28 =	vld.idx.msk [tilespmem:v20+s15+$0x0], $0xffff  }
0x9b: {  	v30 =	vld.idx.msk [tilespmem:v23+s14+$0x0], $0xffff;
	v2 =	vadd.f32 v3, v2;
	v3 =	vmul.f32 v22, v21  }
0x9c: {  	v32 =	vor.u32 $0x39, v1;
	v31 =	vld.idx.msk [tilespmem:v23+s15+$0x0], $0xffff  }
0x9d: {  	v33 =	vld.idx.msk [tilespmem:v26+s14+$0x0], $0xffff;
	v2 =	vadd.f32 v3, v2;
	v3 =	vmul.f32 v25, v24  }
0x9e: {  	v35 =	vor.u32 $0x3A, v1;
	v34 =	vld.idx.msk [tilespmem:v26+s15+$0x0], $0xffff  }
0x9f: {  	v36 =	vld.idx.msk [tilespmem:v29+s14+$0x0], $0xffff;
	v2 =	vadd.f32 v3, v2;
	v3 =	vmul.f32 v28, v27  }
0xa0: {  	v38 =	vor.u32 $0x3B, v1;
	v37 =	vld.idx.msk [tilespmem:v29+s15+$0x0], $0xffff  }
0xa1: {  	v39 =	vld.idx.msk [tilespmem:v32+s14+$0x0], $0xffff;
	v2 =	vadd.f32 v3, v2;
	v3 =	vmul.f32 v31, v30  }
0xa2: {  	v41 =	vor.u32 $0x3C, v1;
	v40 =	vld.idx.msk [tilespmem:v32+s15+$0x0], $0xffff  }
0xa3: {  	v42 =	vld.idx.msk [tilespmem:v35+s14+$0x0], $0xffff;
	v2 =	vadd.f32 v3, v2;
	v3 =	vmul.f32 v34, v33  }
0xa4: {  	v44 =	vor.u32 $0x3D, v1;
	v43 =	vld.idx.msk [tilespmem:v35+s15+$0x0], $0xffff  }
0xa5: {  	v45 =	vld.idx.msk [tilespmem:v38+s14+$0x0], $0xffff;
	v2 =	vadd.f32 v3, v2;
	v3 =	vmul.f32 v37, v36  }
0xa6: {  	v47 =	vor.u32 $0x3E, v1;
	v46 =	vld.idx.msk [tilespmem:v38+s15+$0x0], $0xffff  }
0xa7: {  	v48 =	vld.idx.msk [tilespmem:v41+s14+$0x0], $0xffff;
	v2 =	vadd.f32 v3, v2;
	v3 =	vmul.f32 v40, v39  }
0xa8: {  	v1 =	vor.u32 $0x3F, v1;
	v49 =	vld.idx.msk [tilespmem:v41+s15+$0x0], $0xffff  }
0xa9: {  	v50 =	vld.idx.msk [tilespmem:v44+s14+$0x0], $0xffff;
	v2 =	vadd.f32 v3, v2;
	v3 =	vmul.f32 v43, v42  }
0xaa: {  	v51 =	vld.idx.msk [tilespmem:v44+s15+$0x0], $0xffff  }
0xab: {  	v53 =	vld.idx.msk [tilespmem:v47+s15+$0x0], $0xffff;
	v2 =	vadd.f32 v3, v2;
	v3 =	vmul.f32 v46, v45  }
0xac: {  	v52 =	vld.idx.msk [tilespmem:v47+s14+$0x0], $0xffff  }
0xad: {  	v54 =	vld.idx.msk [tilespmem:v1+s14+$0x0], $0xffff;
	v2 =	vadd.f32 v3, v2;
	v3 =	vmul.f32 v49, v48  }
0xae: {  	v1 =	vld.idx.msk [tilespmem:v1+s15+$0x0], $0xffff  }
0xaf: {  	v2 =	vadd.f32 v3, v2;
	v3 =	vmul.f32 v51, v50;
	_ =	sdelay $0x1  }
0xb0: {  	v2 =	vadd.f32 v3, v2;
	v3 =	vmul.f32 v53, v52  }
0xb1: {  	v55 =	vld [tilespmem:s21+$0x0]  }
0xb2: {  	v1 =	vmul.f32 v1, v54;
	v2 =	vadd.f32 v3, v2  }
0xb3: {  	v3 =	vld [tilespmem:s20+$0x0]  }
0xb4: {  	v2 =	vadd.f32 v1, v2  }
0xb5: {  	v1 =	vld [tilespmem:$0x10A00]  }
0xb6: {  	v2 =	vadd.f32 v2, v55;
	_ =	sdelay $0x1  }
0xb7: {  	v2 =	vadd.f32 v2, v3;
	_ =	sdelay $0x1  }
0xb8: {  	v2 =	vadd.f32 v2, v1;
	_ =	sdelay $0x1  }
0xb9: {  	v2 =	vsub.f32 $0.0e+00, v2;
	_ =	sdelay $0x1  }
0xba: {  	v2 =	vmul.f32 $1.442695020e+00, v2;
	_ =	sdelay $0x1  }
0xbb: {  	(erf) = vpow2.f32 v2;
	_ =	sdelay $0x8  }
0xbc: {  	v2 =	vpop (erf)  }
0xbd: {  	v2 =	vadd.f32 $1.000000000e+00, v2;
	_ =	sdelay $0x1  }
0xbe: {  	(erf) = vrcp.f32 v2;
	_ =	sdelay $0x2  }
0xbf: {  	s31 =	simm.s32 $0x10  }
0xc0: {  	v2 =	vmov s31  }
0xc1: {  	v2 =	vshll.u32 v2, $0x6  }
0xc2: {  	v2 =	vor.u32 v0, v2;
	_ =	sdelay $0x1  }
0xc3: {  	v3 =	vor.u32 $0x1, v2  }
0xc4: {  	v56 =	vpop (erf)  }
0xc5: {  	v57 =	vor.u32 $0x2, v2;
	[tilespmem:s18+$0x0] =	vst v56  }
0xc6: {  	v4 =	vld.idx.msk [tilespmem:v2+s15+$0x0], $0xffff  }
0xc7: {  	v59 =	vor.u32 $0x3, v2;
	v58 =	vld.idx.msk [tilespmem:v2+s14+$0x0], $0xffff  }
0xc8: {  	v60 =	vld.idx.msk [tilespmem:v3+s14+$0x0], $0xffff  }
0xc9: {  	v61 =	vor.u32 $0x4, v2;
	v3 =	vld.idx.msk [tilespmem:v3+s15+$0x0], $0xffff  }
0xca: {  	v62 =	vld.idx.msk [tilespmem:v57+s14+$0x0], $0xffff  }
0xcb: {  	v63 =	vor.u32 $0x5, v2;
	v5 =	vld.idx.msk [tilespmem:v57+s15+$0x0], $0xffff  }
0xcc: {  	v16 =	vld.idx.msk [tilespmem:v59+s14+$0x0], $0xffff;
	v4 =	vmul.f32 v4, v58  }
0xcd: {  	v18 =	vor.u32 $0x6, v2;
	v17 =	vld.idx.msk [tilespmem:v59+s15+$0x0], $0xffff  }
0xce: {  	v19 =	vld.idx.msk [tilespmem:v61+s14+$0x0], $0xffff;
	v3 =	vmul.f32 v3, v60;
	v4 =	vadd.f32 $0.0e+00, v4  }
0xcf: {  	v21 =	vor.u32 $0x7, v2;
	v20 =	vld.idx.msk [tilespmem:v61+s15+$0x0], $0xffff  }
0xd0: {  	v14 =	vld.idx.msk [tilespmem:v63+s14+$0x0], $0xffff;
	v22 =	vmul.f32 v5, v62;
	v3 =	vadd.f32 v3, v4  }
0xd1: {  	v24 =	vor.u32 $0x8, v2;
	v23 =	vld.idx.msk [tilespmem:v63+s15+$0x0], $0xffff  }
0xd2: {  	v25 =	vld.idx.msk [tilespmem:v18+s14+$0x0], $0xffff;
	v26 =	vmul.f32 v17, v16;
	v3 =	vadd.f32 v22, v3  }
0xd3: {  	v28 =	vor.u32 $0x9, v2;
	v27 =	vld.idx.msk [tilespmem:v18+s15+$0x0], $0xffff  }
0xd4: {  	v29 =	vld.idx.msk [tilespmem:v21+s14+$0x0], $0xffff;
	v30 =	vmul.f32 v20, v19;
	v3 =	vadd.f32 v26, v3  }
0xd5: {  	v32 =	vor.u32 $0xA, v2;
	v31 =	vld.idx.msk [tilespmem:v21+s15+$0x0], $0xffff  }
0xd6: {  	v33 =	vld.idx.msk [tilespmem:v24+s14+$0x0], $0xffff;
	v34 =	vmul.f32 v23, v14;
	v3 =	vadd.f32 v30, v3  }
0xd7: {  	v36 =	vor.u32 $0xB, v2;
	v35 =	vld.idx.msk [tilespmem:v24+s15+$0x0], $0xffff  }
0xd8: {  	v37 =	vld.idx.msk [tilespmem:v28+s14+$0x0], $0xffff;
	v38 =	vmul.f32 v27, v25;
	v3 =	vadd.f32 v34, v3  }
0xd9: {  	v40 =	vor.u32 $0xC, v2;
	v39 =	vld.idx.msk [tilespmem:v28+s15+$0x0], $0xffff  }
0xda: {  	v41 =	vld.idx.msk [tilespmem:v32+s14+$0x0], $0xffff;
	v42 =	vmul.f32 v31, v29;
	v3 =	vadd.f32 v38, v3  }
0xdb: {  	v44 =	vor.u32 $0xD, v2;
	v43 =	vld.idx.msk [tilespmem:v32+s15+$0x0], $0xffff  }
0xdc: {  	v45 =	vld.idx.msk [tilespmem:v36+s14+$0x0], $0xffff;
	v46 =	vmul.f32 v35, v33;
	v3 =	vadd.f32 v42, v3  }
0xdd: {  	v48 =	vor.u32 $0xE, v2;
	v47 =	vld.idx.msk [tilespmem:v36+s15+$0x0], $0xffff  }
0xde: {  	v49 =	vld.idx.msk [tilespmem:v40+s14+$0x0], $0xffff;
	v50 =	vmul.f32 v39, v37;
	v3 =	vadd.f32 v46, v3  }
0xdf: {  	v52 =	vor.u32 $0xF, v2;
	v51 =	vld.idx.msk [tilespmem:v40+s15+$0x0], $0xffff  }
0xe0: {  	v53 =	vld.idx.msk [tilespmem:v44+s14+$0x0], $0xffff;
	v54 =	vmul.f32 v43, v41;
	v3 =	vadd.f32 v50, v3  }
0xe1: {  	v56 =	vor.u32 $0x10, v2;
	v55 =	vld.idx.msk [tilespmem:v44+s15+$0x0], $0xffff  }
0xe2: {  	v57 =	vld.idx.msk [tilespmem:v48+s14+$0x0], $0xffff;
	v58 =	vmul.f32 v47, v45;
	v3 =	vadd.f32 v54, v3  }
0xe3: {  	v59 =	vld.idx.msk [tilespmem:v48+s15+$0x0], $0xffff;
	v60 =	vor.u32 $0x11, v2  }
0xe4: {  	v61 =	vld.idx.msk [tilespmem:v52+s14+$0x0], $0xffff;
	v62 =	vmul.f32 v51, v49;
	v3 =	vadd.f32 v58, v3  }
0xe5: {  	v63 =	vld.idx.msk [tilespmem:v52+s15+$0x0], $0xffff;
	v16 =	vor.u32 $0x12, v2  }
0xe6: {  	v17 =	vld.idx.msk [tilespmem:v56+s14+$0x0], $0xffff;
	v18 =	vmul.f32 v55, v53;
	v3 =	vadd.f32 v62, v3  }
0xe7: {  	v19 =	vld.idx.msk [tilespmem:v56+s15+$0x0], $0xffff;
	v20 =	vor.u32 $0x13, v2  }
0xe8: {  	v21 =	vld.idx.msk [tilespmem:v60+s14+$0x0], $0xffff;
	v22 =	vmul.f32 v59, v57;
	v3 =	vadd.f32 v18, v3  }
0xe9: {  	v24 =	vor.u32 $0x14, v2;
	v23 =	vld.idx.msk [tilespmem:v60+s15+$0x0], $0xffff  }
0xea: {  	v25 =	vld.idx.msk [tilespmem:v16+s14+$0x0], $0xffff;
	v26 =	vmul.f32 v63, v61;
	v3 =	vadd.f32 v22, v3  }
0xeb: {  	v28 =	vor.u32 $0x15, v2;
	v27 =	vld.idx.msk [tilespmem:v16+s15+$0x0], $0xffff  }
0xec: {  	v29 =	vld.idx.msk [tilespmem:v20+s14+$0x0], $0xffff;
	v30 =	vmul.f32 v19, v17;
	v3 =	vadd.f32 v26, v3  }
0xed: {  	v32 =	vor.u32 $0x16, v2;
	v31 =	vld.idx.msk [tilespmem:v20+s15+$0x0], $0xffff  }
0xee: {  	v33 =	vld.idx.msk [tilespmem:v24+s14+$0x0], $0xffff;
	v34 =	vmul.f32 v23, v21;
	v3 =	vadd.f32 v30, v3  }
0xef: {  	v36 =	vor.u32 $0x17, v2;
	v35 =	vld.idx.msk [tilespmem:v24+s15+$0x0], $0xffff  }
0xf0: {  	v37 =	vld.idx.msk [tilespmem:v28+s14+$0x0], $0xffff;
	v38 =	vmul.f32 v27, v25;
	v3 =	vadd.f32 v34, v3  }
0xf1: {  	v40 =	vor.u32 $0x18, v2;
	v39 =	vld.idx.msk [tilespmem:v28+s15+$0x0], $0xffff  }
0xf2: {  	v41 =	vld.idx.msk [tilespmem:v32+s14+$0x0], $0xffff;
	v42 =	vmul.f32 v31, v29;
	v3 =	vadd.f32 v38, v3  }
0xf3: {  	v44 =	vor.u32 $0x19, v2;
	v43 =	vld.idx.msk [tilespmem:v32+s15+$0x0], $0xffff  }
0xf4: {  	v45 =	vld.idx.msk [tilespmem:v36+s14+$0x0], $0xffff;
	v46 =	vmul.f32 v35, v33;
	v3 =	vadd.f32 v42, v3  }
0xf5: {  	v48 =	vor.u32 $0x1A, v2;
	v47 =	vld.idx.msk [tilespmem:v36+s15+$0x0], $0xffff  }
0xf6: {  	v49 =	vld.idx.msk [tilespmem:v40+s14+$0x0], $0xffff;
	v50 =	vmul.f32 v39, v37;
	v3 =	vadd.f32 v46, v3  }
0xf7: {  	v52 =	vor.u32 $0x1B, v2;
	v51 =	vld.idx.msk [tilespmem:v40+s15+$0x0], $0xffff  }
0xf8: {  	v53 =	vld.idx.msk [tilespmem:v44+s14+$0x0], $0xffff;
	v54 =	vmul.f32 v43, v41;
	v3 =	vadd.f32 v50, v3  }
0xf9: {  	v55 =	vld.idx.msk [tilespmem:v44+s15+$0x0], $0xffff;
	v56 =	vor.u32 $0x1C, v2  }
0xfa: {  	v57 =	vld.idx.msk [tilespmem:v48+s14+$0x0], $0xffff;
	v58 =	vmul.f32 v47, v45;
	v3 =	vadd.f32 v54, v3  }
0xfb: {  	v60 =	vor.u32 $0x1D, v2;
	v59 =	vld.idx.msk [tilespmem:v48+s15+$0x0], $0xffff  }
0xfc: {  	v61 =	vld.idx.msk [tilespmem:v52+s14+$0x0], $0xffff;
	v62 =	vmul.f32 v51, v49;
	v3 =	vadd.f32 v58, v3  }
0xfd: {  	v16 =	vor.u32 $0x1E, v2;
	v63 =	vld.idx.msk [tilespmem:v52+s15+$0x0], $0xffff  }
0xfe: {  	v17 =	vld.idx.msk [tilespmem:v56+s14+$0x0], $0xffff;
	v18 =	vmul.f32 v55, v53;
	v3 =	vadd.f32 v62, v3  }
0xff: {  	v20 =	vor.u32 $0x1F, v2;
	v19 =	vld.idx.msk [tilespmem:v56+s15+$0x0], $0xffff  }
0x100: {  	v21 =	vld.idx.msk [tilespmem:v60+s14+$0x0], $0xffff;
	v22 =	vmul.f32 v59, v57;
	v3 =	vadd.f32 v18, v3  }
0x101: {  	v24 =	vor.u32 $0x20, v2;
	v23 =	vld.idx.msk [tilespmem:v60+s15+$0x0], $0xffff  }
0x102: {  	v25 =	vld.idx.msk [tilespmem:v16+s14+$0x0], $0xffff;
	v26 =	vmul.f32 v63, v61;
	v3 =	vadd.f32 v22, v3  }
0x103: {  	v28 =	vor.u32 $0x21, v2;
	v27 =	vld.idx.msk [tilespmem:v16+s15+$0x0], $0xffff  }
0x104: {  	v29 =	vld.idx.msk [tilespmem:v20+s14+$0x0], $0xffff;
	v30 =	vmul.f32 v19, v17;
	v3 =	vadd.f32 v26, v3  }
0x105: {  	v32 =	vor.u32 $0x22, v2;
	v31 =	vld.idx.msk [tilespmem:v20+s15+$0x0], $0xffff  }
0x106: {  	v33 =	vld.idx.msk [tilespmem:v24+s14+$0x0], $0xffff;
	v34 =	vmul.f32 v23, v21;
	v3 =	vadd.f32 v30, v3  }
0x107: {  	v36 =	vor.u32 $0x23, v2;
	v35 =	vld.idx.msk [tilespmem:v24+s15+$0x0], $0xffff  }
0x108: {  	v37 =	vld.idx.msk [tilespmem:v28+s14+$0x0], $0xffff;
	v38 =	vmul.f32 v27, v25;
	v3 =	vadd.f32 v34, v3  }
0x109: {  	v40 =	vor.u32 $0x24, v2;
	v39 =	vld.idx.msk [tilespmem:v28+s15+$0x0], $0xffff  }
0x10a: {  	v41 =	vld.idx.msk [tilespmem:v32+s14+$0x0], $0xffff;
	v42 =	vmul.f32 v31, v29;
	v3 =	vadd.f32 v38, v3  }
0x10b: {  	v44 =	vor.u32 $0x25, v2;
	v43 =	vld.idx.msk [tilespmem:v32+s15+$0x0], $0xffff  }
0x10c: {  	v45 =	vld.idx.msk [tilespmem:v36+s14+$0x0], $0xffff;
	v46 =	vmul.f32 v35, v33;
	v3 =	vadd.f32 v42, v3  }
0x10d: {  	v48 =	vor.u32 $0x26, v2;
	v47 =	vld.idx.msk [tilespmem:v36+s15+$0x0], $0xffff  }
0x10e: {  	v49 =	vld.idx.msk [tilespmem:v40+s14+$0x0], $0xffff;
	v50 =	vmul.f32 v39, v37;
	v3 =	vadd.f32 v46, v3  }
0x10f: {  	v52 =	vor.u32 $0x27, v2;
	v51 =	vld.idx.msk [tilespmem:v40+s15+$0x0], $0xffff  }
0x110: {  	v53 =	vld.idx.msk [tilespmem:v44+s14+$0x0], $0xffff;
	v54 =	vmul.f32 v43, v41;
	v3 =	vadd.f32 v50, v3  }
0x111: {  	v56 =	vor.u32 $0x28, v2;
	v55 =	vld.idx.msk [tilespmem:v44+s15+$0x0], $0xffff  }
0x112: {  	v57 =	vld.idx.msk [tilespmem:v48+s14+$0x0], $0xffff;
	v58 =	vmul.f32 v47, v45;
	v3 =	vadd.f32 v54, v3  }
0x113: {  	v60 =	vor.u32 $0x29, v2;
	v59 =	vld.idx.msk [tilespmem:v48+s15+$0x0], $0xffff  }
0x114: {  	v61 =	vld.idx.msk [tilespmem:v52+s14+$0x0], $0xffff;
	v62 =	vmul.f32 v51, v49;
	v3 =	vadd.f32 v58, v3  }
0x115: {  	v16 =	vor.u32 $0x2A, v2;
	v63 =	vld.idx.msk [tilespmem:v52+s15+$0x0], $0xffff  }
0x116: {  	v17 =	vld.idx.msk [tilespmem:v56+s14+$0x0], $0xffff;
	v18 =	vmul.f32 v55, v53;
	v3 =	vadd.f32 v62, v3  }
0x117: {  	v20 =	vor.u32 $0x2B, v2;
	v19 =	vld.idx.msk [tilespmem:v56+s15+$0x0], $0xffff  }
0x118: {  	v21 =	vld.idx.msk [tilespmem:v60+s14+$0x0], $0xffff;
	v22 =	vmul.f32 v59, v57;
	v3 =	vadd.f32 v18, v3  }
0x119: {  	v24 =	vor.u32 $0x2C, v2;
	v23 =	vld.idx.msk [tilespmem:v60+s15+$0x0], $0xffff  }
0x11a: {  	v25 =	vld.idx.msk [tilespmem:v16+s14+$0x0], $0xffff;
	v26 =	vmul.f32 v63, v61;
	v3 =	vadd.f32 v22, v3  }
0x11b: {  	v28 =	vor.u32 $0x2D, v2;
	v27 =	vld.idx.msk [tilespmem:v16+s15+$0x0], $0xffff  }
0x11c: {  	v29 =	vld.idx.msk [tilespmem:v20+s14+$0x0], $0xffff;
	v30 =	vmul.f32 v19, v17;
	v3 =	vadd.f32 v26, v3  }
0x11d: {  	v32 =	vor.u32 $0x2E, v2;
	v31 =	vld.idx.msk [tilespmem:v20+s15+$0x0], $0xffff  }
0x11e: {  	v33 =	vld.idx.msk [tilespmem:v24+s14+$0x0], $0xffff;
	v34 =	vmul.f32 v23, v21;
	v3 =	vadd.f32 v30, v3  }
0x11f: {  	v36 =	vor.u32 $0x2F, v2;
	v35 =	vld.idx.msk [tilespmem:v24+s15+$0x0], $0xffff  }
0x120: {  	v37 =	vld.idx.msk [tilespmem:v28+s14+$0x0], $0xffff;
	v38 =	vmul.f32 v27, v25;
	v3 =	vadd.f32 v34, v3  }
0x121: {  	v40 =	vor.u32 $0x30, v2;
	v39 =	vld.idx.msk [tilespmem:v28+s15+$0x0], $0xffff  }
0x122: {  	v41 =	vld.idx.msk [tilespmem:v32+s14+$0x0], $0xffff;
	v42 =	vmul.f32 v31, v29;
	v3 =	vadd.f32 v38, v3  }
0x123: {  	v44 =	vor.u32 $0x31, v2;
	v43 =	vld.idx.msk [tilespmem:v32+s15+$0x0], $0xffff  }
0x124: {  	v45 =	vld.idx.msk [tilespmem:v36+s14+$0x0], $0xffff;
	v46 =	vmul.f32 v35, v33;
	v3 =	vadd.f32 v42, v3  }
0x125: {  	v48 =	vor.u32 $0x32, v2;
	v47 =	vld.idx.msk [tilespmem:v36+s15+$0x0], $0xffff  }
0x126: {  	v49 =	vld.idx.msk [tilespmem:v40+s14+$0x0], $0xffff;
	v50 =	vmul.f32 v39, v37;
	v3 =	vadd.f32 v46, v3  }
0x127: {  	v52 =	vor.u32 $0x33, v2;
	v51 =	vld.idx.msk [tilespmem:v40+s15+$0x0], $0xffff  }
0x128: {  	v53 =	vld.idx.msk [tilespmem:v44+s14+$0x0], $0xffff;
	v54 =	vmul.f32 v43, v41;
	v3 =	vadd.f32 v50, v3  }
0x129: {  	v56 =	vor.u32 $0x34, v2;
	v55 =	vld.idx.msk [tilespmem:v44+s15+$0x0], $0xffff  }
0x12a: {  	v57 =	vld.idx.msk [tilespmem:v48+s14+$0x0], $0xffff;
	v58 =	vmul.f32 v47, v45;
	v3 =	vadd.f32 v54, v3  }
0x12b: {  	v60 =	vor.u32 $0x35, v2;
	v59 =	vld.idx.msk [tilespmem:v48+s15+$0x0], $0xffff  }
0x12c: {  	v61 =	vld.idx.msk [tilespmem:v52+s14+$0x0], $0xffff;
	v62 =	vmul.f32 v51, v49;
	v3 =	vadd.f32 v58, v3  }
0x12d: {  	v16 =	vor.u32 $0x36, v2;
	v63 =	vld.idx.msk [tilespmem:v52+s15+$0x0], $0xffff  }
0x12e: {  	v17 =	vld.idx.msk [tilespmem:v56+s14+$0x0], $0xffff;
	v18 =	vmul.f32 v55, v53;
	v3 =	vadd.f32 v62, v3  }
0x12f: {  	v20 =	vor.u32 $0x37, v2;
	v19 =	vld.idx.msk [tilespmem:v56+s15+$0x0], $0xffff  }
0x130: {  	v21 =	vld.idx.msk [tilespmem:v60+s14+$0x0], $0xffff;
	v22 =	vmul.f32 v59, v57;
	v3 =	vadd.f32 v18, v3  }
0x131: {  	v24 =	vor.u32 $0x38, v2;
	v23 =	vld.idx.msk [tilespmem:v60+s15+$0x0], $0xffff  }
0x132: {  	v25 =	vld.idx.msk [tilespmem:v16+s14+$0x0], $0xffff;
	v26 =	vmul.f32 v63, v61;
	v3 =	vadd.f32 v22, v3  }
0x133: {  	v28 =	vor.u32 $0x39, v2;
	v27 =	vld.idx.msk [tilespmem:v16+s15+$0x0], $0xffff  }
0x134: {  	v29 =	vld.idx.msk [tilespmem:v20+s14+$0x0], $0xffff;
	v30 =	vmul.f32 v19, v17;
	v3 =	vadd.f32 v26, v3  }
0x135: {  	v32 =	vor.u32 $0x3A, v2;
	v31 =	vld.idx.msk [tilespmem:v20+s15+$0x0], $0xffff  }
0x136: {  	v33 =	vld.idx.msk [tilespmem:v24+s14+$0x0], $0xffff;
	v34 =	vmul.f32 v23, v21;
	v3 =	vadd.f32 v30, v3  }
0x137: {  	v36 =	vor.u32 $0x3B, v2;
	v35 =	vld.idx.msk [tilespmem:v24+s15+$0x0], $0xffff  }
0x138: {  	v37 =	vld.idx.msk [tilespmem:v28+s14+$0x0], $0xffff;
	v38 =	vmul.f32 v27, v25;
	v3 =	vadd.f32 v34, v3  }
0x139: {  	v40 =	vor.u32 $0x3C, v2;
	v39 =	vld.idx.msk [tilespmem:v28+s15+$0x0], $0xffff  }
0x13a: {  	v41 =	vld.idx.msk [tilespmem:v32+s14+$0x0], $0xffff;
	v42 =	vmul.f32 v31, v29;
	v3 =	vadd.f32 v38, v3  }
0x13b: {  	v44 =	vor.u32 $0x3D, v2;
	v43 =	vld.idx.msk [tilespmem:v32+s15+$0x0], $0xffff  }
0x13c: {  	v45 =	vld.idx.msk [tilespmem:v36+s14+$0x0], $0xffff;
	v46 =	vmul.f32 v35, v33;
	v3 =	vadd.f32 v42, v3  }
0x13d: {  	v48 =	vor.u32 $0x3E, v2;
	v47 =	vld.idx.msk [tilespmem:v36+s15+$0x0], $0xffff  }
0x13e: {  	v49 =	vld.idx.msk [tilespmem:v40+s14+$0x0], $0xffff;
	v50 =	vmul.f32 v39, v37;
	v3 =	vadd.f32 v46, v3  }
0x13f: {  	v2 =	vor.u32 $0x3F, v2;
	v51 =	vld.idx.msk [tilespmem:v40+s15+$0x0], $0xffff  }
0x140: {  	v52 =	vld.idx.msk [tilespmem:v44+s14+$0x0], $0xffff;
	v53 =	vmul.f32 v43, v41;
	v3 =	vadd.f32 v50, v3  }
0x141: {  	v54 =	vld.idx.msk [tilespmem:v44+s15+$0x0], $0xffff  }
0x142: {  	v55 =	vld.idx.msk [tilespmem:v48+s14+$0x0], $0xffff;
	v56 =	vmul.f32 v47, v45;
	v3 =	vadd.f32 v53, v3  }
0x143: {  	v57 =	vld.idx.msk [tilespmem:v48+s15+$0x0], $0xffff  }
0x144: {  	v59 =	vmul.f32 v51, v49;
	v58 =	vld.idx.msk [tilespmem:v2+s14+$0x0], $0xffff;
	v3 =	vadd.f32 v56, v3  }
0x145: {  	v2 =	vld.idx.msk [tilespmem:v2+s15+$0x0], $0xffff  }
0x146: {  	v60 =	vmul.f32 v54, v52;
	v3 =	vadd.f32 v59, v3;
	_ =	sdelay $0x1  }
0x147: {  	s20 =	simm.s32 $0x10410;
	v61 =	vmul.f32 v57, v55;
	v3 =	vadd.f32 v60, v3  }
0x148: {  	v62 =	vld [tilespmem:s20+$0x0]  }
0x149: {  	s21 =	simm.s32 $0x10610;
	v2 =	vmul.f32 v2, v58;
	v3 =	vadd.f32 v61, v3  }
0x14a: {  	v63 =	vld [tilespmem:s21+$0x0]  }
0x14b: {  	v2 =	vadd.f32 v2, v3;
	_ =	sdelay $0x1  }
0x14c: {  	v2 =	vadd.f32 v2, v62;
	_ =	sdelay $0x1  }
0x14d: {  	v2 =	vadd.f32 v2, v63;
	_ =	sdelay $0x1  }
0x14e: {  	v2 =	vadd.f32 v2, v1;
	_ =	sdelay $0x1  }
0x14f: {  	v2 =	vsub.f32 $0.0e+00, v2;
	_ =	sdelay $0x1  }
0x150: {  	v2 =	vmul.f32 $1.442695020e+00, v2;
	_ =	sdelay $0x1  }
0x151: {  	(erf) = vpow2.f32 v2;
	_ =	sdelay $0x8  }
0x152: {  	v2 =	vpop (erf)  }
0x153: {  	v2 =	vadd.f32 $1.000000000e+00, v2;
	_ =	sdelay $0x1  }
0x154: {  	(erf) = vrcp.f32 v2;
	_ =	sdelay $0x2  }
0x155: {  	s22 =	simm.s32 $0x20  }
0x156: {  	v3 =	vmov s22  }
0x157: {  	s23 =	simm.s32 $0x30;
	s22 =	simm.s32 $0x10800;
	v2 =	vshll.u32 v3, $0x6  }
.LBB2_2:
0x158: {  	p0 =	sne.s32 s23, $0x1F0;
	v2 =	vor.u32 v0, v2;
	_ =	sdelay $0x1  }
0x159: {  	v3 =	vor.u32 $0x1, v2  }
0x15a: {  	s22 =	sadd.s32 $0x10, s22;
	v4 =	vpop (erf)  }
0x15b: {  	v5 =	vor.u32 $0x2, v2;
	[tilespmem:s22+$0x0] =	vst v4  }
0x15c: {  	v4 =	vld.idx.msk [tilespmem:v2+s15+$0x0], $0xffff  }
0x15d: {  	v7 =	vor.u32 $0x3, v2;
	v6 =	vld.idx.msk [tilespmem:v2+s14+$0x0], $0xffff  }
0x15e: {  	v8 =	vld.idx.msk [tilespmem:v3+s14+$0x0], $0xffff  }
0x15f: {  	v9 =	vor.u32 $0x4, v2;
	v3 =	vld.idx.msk [tilespmem:v3+s15+$0x0], $0xffff  }
0x160: {  	v10 =	vld.idx.msk [tilespmem:v5+s14+$0x0], $0xffff  }
0x161: {  	v11 =	vor.u32 $0x5, v2;
	v5 =	vld.idx.msk [tilespmem:v5+s15+$0x0], $0xffff  }
0x162: {  	v12 =	vld.idx.msk [tilespmem:v7+s14+$0x0], $0xffff  }
0x163: {  	v4 =	vmul.f32 v4, v6;
	v6 =	vld.idx.msk [tilespmem:v7+s15+$0x0], $0xffff;
	v7 =	vor.u32 $0x6, v2  }
0x164: {  	v13 =	vld.idx.msk [tilespmem:v9+s14+$0x0], $0xffff  }
0x165: {  	v4 =	vadd.f32 $0.0e+00, v4;
	v3 =	vmul.f32 v3, v8;
	v8 =	vld.idx.msk [tilespmem:v9+s15+$0x0], $0xffff;
	v9 =	vor.u32 $0x7, v2  }
0x166: {  	v14 =	vld.idx.msk [tilespmem:v11+s14+$0x0], $0xffff  }
0x167: {  	v3 =	vadd.f32 v3, v4;
	v4 =	vmul.f32 v5, v10;
	v10 =	vor.u32 $0x8, v2;
	v5 =	vld.idx.msk [tilespmem:v11+s15+$0x0], $0xffff  }
0x168: {  	v11 =	vld.idx.msk [tilespmem:v7+s14+$0x0], $0xffff  }
0x169: {  	v3 =	vadd.f32 v4, v3;
	v4 =	vmul.f32 v6, v12;
	v6 =	vld.idx.msk [tilespmem:v7+s15+$0x0], $0xffff;
	v7 =	vor.u32 $0x9, v2  }
0x16a: {  	v12 =	vld.idx.msk [tilespmem:v9+s14+$0x0], $0xffff  }
0x16b: {  	v3 =	vadd.f32 v4, v3;
	v4 =	vmul.f32 v8, v13;
	v8 =	vld.idx.msk [tilespmem:v9+s15+$0x0], $0xffff;
	v9 =	vor.u32 $0xA, v2  }
0x16c: {  	v13 =	vld.idx.msk [tilespmem:v10+s14+$0x0], $0xffff  }
0x16d: {  	v3 =	vadd.f32 v4, v3;
	v4 =	vmul.f32 v5, v14;
	v5 =	vld.idx.msk [tilespmem:v10+s15+$0x0], $0xffff;
	v10 =	vor.u32 $0xB, v2  }
0x16e: {  	v14 =	vld.idx.msk [tilespmem:v7+s14+$0x0], $0xffff  }
0x16f: {  	v3 =	vadd.f32 v4, v3;
	v4 =	vmul.f32 v6, v11;
	v6 =	vld.idx.msk [tilespmem:v7+s15+$0x0], $0xffff;
	v7 =	vor.u32 $0xC, v2  }
0x170: {  	v11 =	vld.idx.msk [tilespmem:v9+s14+$0x0], $0xffff  }
0x171: {  	v3 =	vadd.f32 v4, v3;
	v4 =	vmul.f32 v8, v12;
	v8 =	vld.idx.msk [tilespmem:v9+s15+$0x0], $0xffff;
	v9 =	vor.u32 $0xD, v2  }
0x172: {  	v12 =	vld.idx.msk [tilespmem:v10+s14+$0x0], $0xffff  }
0x173: {  	v3 =	vadd.f32 v4, v3;
	v4 =	vmul.f32 v5, v13;
	v5 =	vld.idx.msk [tilespmem:v10+s15+$0x0], $0xffff;
	v10 =	vor.u32 $0xE, v2  }
0x174: {  	v13 =	vld.idx.msk [tilespmem:v7+s14+$0x0], $0xffff  }
0x175: {  	v3 =	vadd.f32 v4, v3;
	v4 =	vmul.f32 v6, v14;
	v6 =	vld.idx.msk [tilespmem:v7+s15+$0x0], $0xffff;
	v7 =	vor.u32 $0xF, v2  }
0x176: {  	v14 =	vld.idx.msk [tilespmem:v9+s14+$0x0], $0xffff  }
0x177: {  	v3 =	vadd.f32 v4, v3;
	v4 =	vmul.f32 v8, v11;
	v8 =	vld.idx.msk [tilespmem:v9+s15+$0x0], $0xffff;
	v9 =	vor.u32 $0x10, v2  }
0x178: {  	v11 =	vld.idx.msk [tilespmem:v10+s14+$0x0], $0xffff  }
0x179: {  	v3 =	vadd.f32 v4, v3;
	v4 =	vmul.f32 v5, v12;
	v5 =	vld.idx.msk [tilespmem:v10+s15+$0x0], $0xffff;
	v10 =	vor.u32 $0x11, v2  }
0x17a: {  	v12 =	vld.idx.msk [tilespmem:v7+s14+$0x0], $0xffff  }
0x17b: {  	v3 =	vadd.f32 v4, v3;
	v4 =	vmul.f32 v6, v13;
	v6 =	vld.idx.msk [tilespmem:v7+s15+$0x0], $0xffff;
	v7 =	vor.u32 $0x12, v2  }
0x17c: {  	v13 =	vld.idx.msk [tilespmem:v9+s14+$0x0], $0xffff  }
0x17d: {  	v3 =	vadd.f32 v4, v3;
	v4 =	vmul.f32 v8, v14;
	v8 =	vld.idx.msk [tilespmem:v9+s15+$0x0], $0xffff;
	v9 =	vor.u32 $0x13, v2  }
0x17e: {  	v14 =	vld.idx.msk [tilespmem:v10+s14+$0x0], $0xffff  }
0x17f: {  	v3 =	vadd.f32 v4, v3;
	v4 =	vmul.f32 v5, v11;
	v5 =	vld.idx.msk [tilespmem:v10+s15+$0x0], $0xffff;
	v10 =	vor.u32 $0x14, v2  }
0x180: {  	v11 =	vld.idx.msk [tilespmem:v7+s14+$0x0], $0xffff  }
0x181: {  	v3 =	vadd.f32 v4, v3;
	v4 =	vmul.f32 v6, v12;
	v6 =	vld.idx.msk [tilespmem:v7+s15+$0x0], $0xffff;
	v7 =	vor.u32 $0x15, v2  }
0x182: {  	v12 =	vld.idx.msk [tilespmem:v9+s14+$0x0], $0xffff  }
0x183: {  	v3 =	vadd.f32 v4, v3;
	v4 =	vmul.f32 v8, v13;
	v8 =	vld.idx.msk [tilespmem:v9+s15+$0x0], $0xffff;
	v9 =	vor.u32 $0x16, v2  }
0x184: {  	v13 =	vld.idx.msk [tilespmem:v10+s14+$0x0], $0xffff  }
0x185: {  	v3 =	vadd.f32 v4, v3;
	v4 =	vmul.f32 v5, v14;
	v5 =	vld.idx.msk [tilespmem:v10+s15+$0x0], $0xffff;
	v10 =	vor.u32 $0x17, v2  }
0x186: {  	v14 =	vld.idx.msk [tilespmem:v7+s14+$0x0], $0xffff  }
0x187: {  	v3 =	vadd.f32 v4, v3;
	v4 =	vmul.f32 v6, v11;
	v6 =	vld.idx.msk [tilespmem:v7+s15+$0x0], $0xffff;
	v7 =	vor.u32 $0x18, v2  }
0x188: {  	v11 =	vld.idx.msk [tilespmem:v9+s14+$0x0], $0xffff  }
0x189: {  	v3 =	vadd.f32 v4, v3;
	v4 =	vmul.f32 v8, v12;
	v8 =	vld.idx.msk [tilespmem:v9+s15+$0x0], $0xffff;
	v9 =	vor.u32 $0x19, v2  }
0x18a: {  	v12 =	vld.idx.msk [tilespmem:v10+s14+$0x0], $0xffff  }
0x18b: {  	v3 =	vadd.f32 v4, v3;
	v4 =	vmul.f32 v5, v13;
	v5 =	vld.idx.msk [tilespmem:v10+s15+$0x0], $0xffff;
	v10 =	vor.u32 $0x1A, v2  }
0x18c: {  	v13 =	vld.idx.msk [tilespmem:v7+s14+$0x0], $0xffff  }
0x18d: {  	v3 =	vadd.f32 v4, v3;
	v4 =	vmul.f32 v6, v14;
	v6 =	vld.idx.msk [tilespmem:v7+s15+$0x0], $0xffff;
	v7 =	vor.u32 $0x1B, v2  }
0x18e: {  	v14 =	vld.idx.msk [tilespmem:v9+s14+$0x0], $0xffff  }
0x18f: {  	v3 =	vadd.f32 v4, v3;
	v4 =	vmul.f32 v8, v11;
	v8 =	vld.idx.msk [tilespmem:v9+s15+$0x0], $0xffff;
	v9 =	vor.u32 $0x1C, v2  }
0x190: {  	v11 =	vld.idx.msk [tilespmem:v10+s14+$0x0], $0xffff  }
0x191: {  	v3 =	vadd.f32 v4, v3;
	v4 =	vmul.f32 v5, v12;
	v5 =	vld.idx.msk [tilespmem:v10+s15+$0x0], $0xffff;
	v10 =	vor.u32 $0x1D, v2  }
0x192: {  	v12 =	vld.idx.msk [tilespmem:v7+s14+$0x0], $0xffff  }
0x193: {  	v3 =	vadd.f32 v4, v3;
	v4 =	vmul.f32 v6, v13;
	v6 =	vld.idx.msk [tilespmem:v7+s15+$0x0], $0xffff;
	v7 =	vor.u32 $0x1E, v2  }
0x194: {  	v13 =	vld.idx.msk [tilespmem:v9+s14+$0x0], $0xffff  }
0x195: {  	v3 =	vadd.f32 v4, v3;
	v4 =	vmul.f32 v8, v14;
	v8 =	vld.idx.msk [tilespmem:v9+s15+$0x0], $0xffff;
	v9 =	vor.u32 $0x1F, v2  }
0x196: {  	v14 =	vld.idx.msk [tilespmem:v10+s14+$0x0], $0xffff  }
0x197: {  	v3 =	vadd.f32 v4, v3;
	v4 =	vmul.f32 v5, v11;
	v5 =	vld.idx.msk [tilespmem:v10+s15+$0x0], $0xffff;
	v10 =	vor.u32 $0x20, v2  }
0x198: {  	v11 =	vld.idx.msk [tilespmem:v7+s14+$0x0], $0xffff  }
0x199: {  	v3 =	vadd.f32 v4, v3;
	v4 =	vmul.f32 v6, v12;
	v6 =	vld.idx.msk [tilespmem:v7+s15+$0x0], $0xffff;
	v7 =	vor.u32 $0x21, v2  }
0x19a: {  	v12 =	vld.idx.msk [tilespmem:v9+s14+$0x0], $0xffff  }
0x19b: {  	v3 =	vadd.f32 v4, v3;
	v4 =	vmul.f32 v8, v13;
	v8 =	vld.idx.msk [tilespmem:v9+s15+$0x0], $0xffff;
	v9 =	vor.u32 $0x22, v2  }
0x19c: {  	v13 =	vld.idx.msk [tilespmem:v10+s14+$0x0], $0xffff  }
0x19d: {  	v3 =	vadd.f32 v4, v3;
	v4 =	vmul.f32 v5, v14;
	v5 =	vld.idx.msk [tilespmem:v10+s15+$0x0], $0xffff;
	v10 =	vor.u32 $0x23, v2  }
0x19e: {  	v14 =	vld.idx.msk [tilespmem:v7+s14+$0x0], $0xffff  }
0x19f: {  	v3 =	vadd.f32 v4, v3;
	v4 =	vmul.f32 v6, v11;
	v6 =	vld.idx.msk [tilespmem:v7+s15+$0x0], $0xffff;
	v7 =	vor.u32 $0x24, v2  }
0x1a0: {  	v11 =	vld.idx.msk [tilespmem:v9+s14+$0x0], $0xffff  }
0x1a1: {  	v3 =	vadd.f32 v4, v3;
	v4 =	vmul.f32 v8, v12;
	v8 =	vld.idx.msk [tilespmem:v9+s15+$0x0], $0xffff;
	v9 =	vor.u32 $0x25, v2  }
0x1a2: {  	v12 =	vld.idx.msk [tilespmem:v10+s14+$0x0], $0xffff  }
0x1a3: {  	v3 =	vadd.f32 v4, v3;
	v4 =	vmul.f32 v5, v13;
	v5 =	vld.idx.msk [tilespmem:v10+s15+$0x0], $0xffff;
	v10 =	vor.u32 $0x26, v2  }
0x1a4: {  	v13 =	vld.idx.msk [tilespmem:v7+s14+$0x0], $0xffff  }
0x1a5: {  	v3 =	vadd.f32 v4, v3;
	v4 =	vmul.f32 v6, v14;
	v6 =	vld.idx.msk [tilespmem:v7+s15+$0x0], $0xffff;
	v7 =	vor.u32 $0x27, v2  }
0x1a6: {  	v14 =	vld.idx.msk [tilespmem:v9+s14+$0x0], $0xffff  }
0x1a7: {  	v3 =	vadd.f32 v4, v3;
	v4 =	vmul.f32 v8, v11;
	v8 =	vld.idx.msk [tilespmem:v9+s15+$0x0], $0xffff;
	v9 =	vor.u32 $0x28, v2  }
0x1a8: {  	v11 =	vld.idx.msk [tilespmem:v10+s14+$0x0], $0xffff  }
0x1a9: {  	v3 =	vadd.f32 v4, v3;
	v4 =	vmul.f32 v5, v12;
	v5 =	vld.idx.msk [tilespmem:v10+s15+$0x0], $0xffff;
	v10 =	vor.u32 $0x29, v2  }
0x1aa: {  	v12 =	vld.idx.msk [tilespmem:v7+s14+$0x0], $0xffff  }
0x1ab: {  	v3 =	vadd.f32 v4, v3;
	v4 =	vmul.f32 v6, v13;
	v6 =	vld.idx.msk [tilespmem:v7+s15+$0x0], $0xffff;
	v7 =	vor.u32 $0x2A, v2  }
0x1ac: {  	v13 =	vld.idx.msk [tilespmem:v9+s14+$0x0], $0xffff  }
0x1ad: {  	v3 =	vadd.f32 v4, v3;
	v4 =	vmul.f32 v8, v14;
	v8 =	vld.idx.msk [tilespmem:v9+s15+$0x0], $0xffff;
	v9 =	vor.u32 $0x2B, v2  }
0x1ae: {  	v14 =	vld.idx.msk [tilespmem:v10+s14+$0x0], $0xffff  }
0x1af: {  	v3 =	vadd.f32 v4, v3;
	v4 =	vmul.f32 v5, v11;
	v5 =	vld.idx.msk [tilespmem:v10+s15+$0x0], $0xffff;
	v10 =	vor.u32 $0x2C, v2  }
0x1b0: {  	v11 =	vld.idx.msk [tilespmem:v7+s14+$0x0], $0xffff  }
0x1b1: {  	v3 =	vadd.f32 v4, v3;
	v4 =	vmul.f32 v6, v12;
	v6 =	vld.idx.msk [tilespmem:v7+s15+$0x0], $0xffff;
	v7 =	vor.u32 $0x2D, v2  }
0x1b2: {  	v12 =	vld.idx.msk [tilespmem:v9+s14+$0x0], $0xffff  }
0x1b3: {  	v3 =	vadd.f32 v4, v3;
	v4 =	vmul.f32 v8, v13;
	v8 =	vld.idx.msk [tilespmem:v9+s15+$0x0], $0xffff;
	v9 =	vor.u32 $0x2E, v2  }
0x1b4: {  	v13 =	vld.idx.msk [tilespmem:v10+s14+$0x0], $0xffff  }
0x1b5: {  	v3 =	vadd.f32 v4, v3;
	v4 =	vmul.f32 v5, v14;
	v5 =	vld.idx.msk [tilespmem:v10+s15+$0x0], $0xffff;
	v10 =	vor.u32 $0x2F, v2  }
0x1b6: {  	v14 =	vld.idx.msk [tilespmem:v7+s14+$0x0], $0xffff  }
0x1b7: {  	v3 =	vadd.f32 v4, v3;
	v4 =	vmul.f32 v6, v11;
	v6 =	vld.idx.msk [tilespmem:v7+s15+$0x0], $0xffff;
	v7 =	vor.u32 $0x30, v2  }
0x1b8: {  	v11 =	vld.idx.msk [tilespmem:v9+s14+$0x0], $0xffff  }
0x1b9: {  	v3 =	vadd.f32 v4, v3;
	v4 =	vmul.f32 v8, v12;
	v8 =	vld.idx.msk [tilespmem:v9+s15+$0x0], $0xffff;
	v9 =	vor.u32 $0x31, v2  }
0x1ba: {  	v12 =	vld.idx.msk [tilespmem:v10+s14+$0x0], $0xffff  }
0x1bb: {  	v3 =	vadd.f32 v4, v3;
	v4 =	vmul.f32 v5, v13;
	v5 =	vld.idx.msk [tilespmem:v10+s15+$0x0], $0xffff;
	v10 =	vor.u32 $0x32, v2  }
0x1bc: {  	v13 =	vld.idx.msk [tilespmem:v7+s14+$0x0], $0xffff  }
0x1bd: {  	v3 =	vadd.f32 v4, v3;
	v4 =	vmul.f32 v6, v14;
	v6 =	vld.idx.msk [tilespmem:v7+s15+$0x0], $0xffff;
	v7 =	vor.u32 $0x33, v2  }
0x1be: {  	v14 =	vld.idx.msk [tilespmem:v9+s14+$0x0], $0xffff  }
0x1bf: {  	v3 =	vadd.f32 v4, v3;
	v4 =	vmul.f32 v8, v11;
	v8 =	vld.idx.msk [tilespmem:v9+s15+$0x0], $0xffff;
	v9 =	vor.u32 $0x34, v2  }
0x1c0: {  	v11 =	vld.idx.msk [tilespmem:v10+s14+$0x0], $0xffff  }
0x1c1: {  	v3 =	vadd.f32 v4, v3;
	v4 =	vmul.f32 v5, v12;
	v5 =	vld.idx.msk [tilespmem:v10+s15+$0x0], $0xffff;
	v10 =	vor.u32 $0x35, v2  }
0x1c2: {  	v12 =	vld.idx.msk [tilespmem:v7+s14+$0x0], $0xffff  }
0x1c3: {  	v3 =	vadd.f32 v4, v3;
	v4 =	vmul.f32 v6, v13;
	v6 =	vld.idx.msk [tilespmem:v7+s15+$0x0], $0xffff;
	v7 =	vor.u32 $0x36, v2  }
0x1c4: {  	v13 =	vld.idx.msk [tilespmem:v9+s14+$0x0], $0xffff  }
0x1c5: {  	v3 =	vadd.f32 v4, v3;
	v4 =	vmul.f32 v8, v14;
	v8 =	vld.idx.msk [tilespmem:v9+s15+$0x0], $0xffff;
	v9 =	vor.u32 $0x37, v2  }
0x1c6: {  	v14 =	vld.idx.msk [tilespmem:v10+s14+$0x0], $0xffff  }
0x1c7: {  	v3 =	vadd.f32 v4, v3;
	v4 =	vmul.f32 v5, v11;
	v5 =	vld.idx.msk [tilespmem:v10+s15+$0x0], $0xffff;
	v10 =	vor.u32 $0x38, v2  }
0x1c8: {  	v11 =	vld.idx.msk [tilespmem:v7+s14+$0x0], $0xffff  }
0x1c9: {  	v3 =	vadd.f32 v4, v3;
	v4 =	vmul.f32 v6, v12;
	v6 =	vld.idx.msk [tilespmem:v7+s15+$0x0], $0xffff;
	v7 =	vor.u32 $0x39, v2  }
0x1ca: {  	v12 =	vld.idx.msk [tilespmem:v9+s14+$0x0], $0xffff  }
0x1cb: {  	v3 =	vadd.f32 v4, v3;
	v4 =	vmul.f32 v8, v13;
	v8 =	vld.idx.msk [tilespmem:v9+s15+$0x0], $0xffff;
	v9 =	vor.u32 $0x3A, v2  }
0x1cc: {  	v13 =	vld.idx.msk [tilespmem:v10+s14+$0x0], $0xffff  }
0x1cd: {  	v3 =	vadd.f32 v4, v3;
	v4 =	vmul.f32 v5, v14;
	v5 =	vld.idx.msk [tilespmem:v10+s15+$0x0], $0xffff;
	v10 =	vor.u32 $0x3B, v2  }
0x1ce: {  	v14 =	vld.idx.msk [tilespmem:v7+s14+$0x0], $0xffff  }
0x1cf: {  	v3 =	vadd.f32 v4, v3;
	v4 =	vmul.f32 v6, v11;
	v6 =	vld.idx.msk [tilespmem:v7+s15+$0x0], $0xffff;
	v7 =	vor.u32 $0x3C, v2  }
0x1d0: {  	v11 =	vld.idx.msk [tilespmem:v9+s14+$0x0], $0xffff  }
0x1d1: {  	v3 =	vadd.f32 v4, v3;
	v4 =	vmul.f32 v8, v12;
	v8 =	vld.idx.msk [tilespmem:v9+s15+$0x0], $0xffff;
	v9 =	vor.u32 $0x3D, v2  }
0x1d2: {  	v12 =	vld.idx.msk [tilespmem:v10+s14+$0x0], $0xffff  }
0x1d3: {  	v3 =	vadd.f32 v4, v3;
	v4 =	vmul.f32 v5, v13;
	v5 =	vld.idx.msk [tilespmem:v10+s15+$0x0], $0xffff;
	v10 =	vor.u32 $0x3E, v2  }
0x1d4: {  	v13 =	vld.idx.msk [tilespmem:v7+s14+$0x0], $0xffff  }
0x1d5: {  	v2 =	vor.u32 $0x3F, v2;
	v3 =	vadd.f32 v4, v3;
	v4 =	vmul.f32 v6, v14;
	v6 =	vld.idx.msk [tilespmem:v7+s15+$0x0], $0xffff  }
0x1d6: {  	v7 =	vld.idx.msk [tilespmem:v9+s14+$0x0], $0xffff  }
0x1d7: {  	v3 =	vadd.f32 v4, v3;
	v4 =	vmul.f32 v8, v11;
	v8 =	vld.idx.msk [tilespmem:v9+s15+$0x0], $0xffff  }
0x1d8: {  	v9 =	vld.idx.msk [tilespmem:v10+s14+$0x0], $0xffff  }
0x1d9: {  	v3 =	vadd.f32 v4, v3;
	v4 =	vmul.f32 v5, v12;
	v5 =	vld.idx.msk [tilespmem:v10+s15+$0x0], $0xffff  }
0x1da: {  	v10 =	vld.idx.msk [tilespmem:v2+s14+$0x0], $0xffff  }
0x1db: {  	v3 =	vadd.f32 v4, v3;
	v4 =	vmul.f32 v6, v13;
	v2 =	vld.idx.msk [tilespmem:v2+s15+$0x0], $0xffff;
	_ =	sdelay $0x1  }
0x1dc: {  	v3 =	vadd.f32 v4, v3;
	v4 =	vmul.f32 v8, v7;
	_ =	sdelay $0x1  }
0x1dd: {  	s20 =	sadd.s32 $0x10, s20;
	v3 =	vadd.f32 v4, v3;
	v4 =	vmul.f32 v5, v9  }
0x1de: {  	v5 =	vld [tilespmem:s20+$0x0]  }
0x1df: {  	s21 =	sadd.s32 $0x10, s21;
	v3 =	vadd.f32 v4, v3;
	v2 =	vmul.f32 v2, v10  }
0x1e0: {  	v4 =	vld [tilespmem:s21+$0x0]  }
0x1e1: {  	v2 =	vadd.f32 v2, v3;
	_ =	sdelay $0x1  }
0x1e2: {  	v2 =	vadd.f32 v2, v5;
	_ =	sdelay $0x1  }
0x1e3: {  	v2 =	vadd.f32 v2, v4;
	_ =	sdelay $0x1  }
0x1e4: {  	v2 =	vadd.f32 v2, v1;
	_ =	sdelay $0x1  }
0x1e5: {  	v2 =	vsub.f32 $0.0e+00, v2;
	_ =	sdelay $0x1  }
0x1e6: {  	v2 =	vmul.f32 $1.442695020e+00, v2;
	_ =	sdelay $0x1  }
0x1e7: {  	(erf) = vpow2.f32 v2;
	_ =	sdelay $0x8  }
0x1e8: {  	v2 =	vpop (erf)  }
0x1e9: {  	v2 =	vadd.f32 $1.000000000e+00, v2;
	_ =	sdelay $0x1  }
0x1ea: {  	(erf) = vrcp.f32 v2  }
.Ltmp0:
0x1eb: {  	(pc) =	sbr.rel @p0 .LBB2_2-.Ltmp0, $3  }
0x1ec: {  	_ =	sdelay $0x1  }
0x1ed: {  	v2 =	vmov s23  }
0x1ee: {  	s23 =	sadd.s32 $0x10, s23;
	v2 =	vshll.u32 v2, $0x6  }
0x1ef: {  	v2 =	vor.u32 v0, v2;
	_ =	sdelay $0x1  }
0x1f0: {  	v3 =	vor.u32 $0x1, v2  }
0x1f1: {  	s22 =	sadd.s32 $0x10, s22;
	v4 =	vpop (erf)  }
0x1f2: {  	v5 =	vor.u32 $0x2, v2;
	[tilespmem:s22+$0x0] =	vst v4  }
0x1f3: {  	v4 =	vld.idx.msk [tilespmem:v2+s15+$0x0], $0xffff  }
0x1f4: {  	v7 =	vor.u32 $0x3, v2;
	v6 =	vld.idx.msk [tilespmem:v2+s14+$0x0], $0xffff  }
0x1f5: {  	v8 =	vld.idx.msk [tilespmem:v3+s14+$0x0], $0xffff  }
0x1f6: {  	v9 =	vor.u32 $0x4, v2;
	v3 =	vld.idx.msk [tilespmem:v3+s15+$0x0], $0xffff  }
0x1f7: {  	v10 =	vld.idx.msk [tilespmem:v5+s14+$0x0], $0xffff  }
0x1f8: {  	v11 =	vor.u32 $0x5, v2;
	v5 =	vld.idx.msk [tilespmem:v5+s15+$0x0], $0xffff  }
0x1f9: {  	v12 =	vld.idx.msk [tilespmem:v7+s14+$0x0], $0xffff;
	v4 =	vmul.f32 v4, v6  }
0x1fa: {  	v19 =	vor.u32 $0x6, v2;
	v18 =	vld.idx.msk [tilespmem:v7+s15+$0x0], $0xffff  }
0x1fb: {  	v13 =	vld.idx.msk [tilespmem:v9+s14+$0x0], $0xffff;
	v3 =	vmul.f32 v3, v8;
	v4 =	vadd.f32 $0.0e+00, v4  }
0x1fc: {  	v21 =	vor.u32 $0x7, v2;
	v20 =	vld.idx.msk [tilespmem:v9+s15+$0x0], $0xffff  }
0x1fd: {  	v14 =	vld.idx.msk [tilespmem:v11+s14+$0x0], $0xffff;
	v22 =	vmul.f32 v5, v10;
	v3 =	vadd.f32 v3, v4  }
0x1fe: {  	v24 =	vor.u32 $0x8, v2;
	v23 =	vld.idx.msk [tilespmem:v11+s15+$0x0], $0xffff  }
0x1ff: {  	v25 =	vld.idx.msk [tilespmem:v19+s14+$0x0], $0xffff;
	v26 =	vmul.f32 v18, v12;
	v3 =	vadd.f32 v22, v3  }
0x200: {  	v28 =	vor.u32 $0x9, v2;
	v27 =	vld.idx.msk [tilespmem:v19+s15+$0x0], $0xffff  }
0x201: {  	v29 =	vld.idx.msk [tilespmem:v21+s14+$0x0], $0xffff;
	v30 =	vmul.f32 v20, v13;
	v3 =	vadd.f32 v26, v3  }
0x202: {  	v32 =	vor.u32 $0xA, v2;
	v31 =	vld.idx.msk [tilespmem:v21+s15+$0x0], $0xffff  }
0x203: {  	v33 =	vld.idx.msk [tilespmem:v24+s14+$0x0], $0xffff;
	v34 =	vmul.f32 v23, v14;
	v3 =	vadd.f32 v30, v3  }
0x204: {  	v36 =	vor.u32 $0xB, v2;
	v35 =	vld.idx.msk [tilespmem:v24+s15+$0x0], $0xffff  }
0x205: {  	v37 =	vld.idx.msk [tilespmem:v28+s14+$0x0], $0xffff;
	v38 =	vmul.f32 v27, v25;
	v3 =	vadd.f32 v34, v3  }
0x206: {  	v40 =	vor.u32 $0xC, v2;
	v39 =	vld.idx.msk [tilespmem:v28+s15+$0x0], $0xffff  }
0x207: {  	v41 =	vld.idx.msk [tilespmem:v32+s14+$0x0], $0xffff;
	v42 =	vmul.f32 v31, v29;
	v3 =	vadd.f32 v38, v3  }
0x208: {  	v44 =	vor.u32 $0xD, v2;
	v43 =	vld.idx.msk [tilespmem:v32+s15+$0x0], $0xffff  }
0x209: {  	v45 =	vld.idx.msk [tilespmem:v36+s14+$0x0], $0xffff;
	v46 =	vmul.f32 v35, v33;
	v3 =	vadd.f32 v42, v3  }
0x20a: {  	v48 =	vor.u32 $0xE, v2;
	v47 =	vld.idx.msk [tilespmem:v36+s15+$0x0], $0xffff  }
0x20b: {  	v49 =	vld.idx.msk [tilespmem:v40+s14+$0x0], $0xffff;
	v50 =	vmul.f32 v39, v37;
	v3 =	vadd.f32 v46, v3  }
0x20c: {  	v52 =	vor.u32 $0xF, v2;
	v51 =	vld.idx.msk [tilespmem:v40+s15+$0x0], $0xffff  }
0x20d: {  	v53 =	vld.idx.msk [tilespmem:v44+s14+$0x0], $0xffff;
	v54 =	vmul.f32 v43, v41;
	v3 =	vadd.f32 v50, v3  }
0x20e: {  	v56 =	vor.u32 $0x10, v2;
	v55 =	vld.idx.msk [tilespmem:v44+s15+$0x0], $0xffff  }
0x20f: {  	v57 =	vld.idx.msk [tilespmem:v48+s14+$0x0], $0xffff;
	v58 =	vmul.f32 v47, v45;
	v3 =	vadd.f32 v54, v3  }
0x210: {  	v60 =	vor.u32 $0x11, v2;
	v59 =	vld.idx.msk [tilespmem:v48+s15+$0x0], $0xffff  }
0x211: {  	v61 =	vld.idx.msk [tilespmem:v52+s14+$0x0], $0xffff;
	v62 =	vmul.f32 v51, v49;
	v3 =	vadd.f32 v58, v3  }
0x212: {  	v16 =	vor.u32 $0x12, v2;
	v63 =	vld.idx.msk [tilespmem:v52+s15+$0x0], $0xffff  }
0x213: {  	v17 =	vld.idx.msk [tilespmem:v56+s14+$0x0], $0xffff;
	v18 =	vmul.f32 v55, v53;
	v3 =	vadd.f32 v62, v3  }
0x214: {  	v19 =	vld.idx.msk [tilespmem:v56+s15+$0x0], $0xffff;
	v20 =	vor.u32 $0x13, v2  }
0x215: {  	v21 =	vld.idx.msk [tilespmem:v60+s14+$0x0], $0xffff;
	v22 =	vmul.f32 v59, v57;
	v3 =	vadd.f32 v18, v3  }
0x216: {  	v24 =	vor.u32 $0x14, v2;
	v23 =	vld.idx.msk [tilespmem:v60+s15+$0x0], $0xffff  }
0x217: {  	v25 =	vld.idx.msk [tilespmem:v16+s14+$0x0], $0xffff;
	v26 =	vmul.f32 v63, v61;
	v3 =	vadd.f32 v22, v3  }
0x218: {  	v28 =	vor.u32 $0x15, v2;
	v27 =	vld.idx.msk [tilespmem:v16+s15+$0x0], $0xffff  }
0x219: {  	v29 =	vld.idx.msk [tilespmem:v20+s14+$0x0], $0xffff;
	v30 =	vmul.f32 v19, v17;
	v3 =	vadd.f32 v26, v3  }
0x21a: {  	v32 =	vor.u32 $0x16, v2;
	v31 =	vld.idx.msk [tilespmem:v20+s15+$0x0], $0xffff  }
0x21b: {  	v33 =	vld.idx.msk [tilespmem:v24+s14+$0x0], $0xffff;
	v34 =	vmul.f32 v23, v21;
	v3 =	vadd.f32 v30, v3  }
0x21c: {  	v36 =	vor.u32 $0x17, v2;
	v35 =	vld.idx.msk [tilespmem:v24+s15+$0x0], $0xffff  }
0x21d: {  	v37 =	vld.idx.msk [tilespmem:v28+s14+$0x0], $0xffff;
	v38 =	vmul.f32 v27, v25;
	v3 =	vadd.f32 v34, v3  }
0x21e: {  	v40 =	vor.u32 $0x18, v2;
	v39 =	vld.idx.msk [tilespmem:v28+s15+$0x0], $0xffff  }
0x21f: {  	v41 =	vld.idx.msk [tilespmem:v32+s14+$0x0], $0xffff;
	v42 =	vmul.f32 v31, v29;
	v3 =	vadd.f32 v38, v3  }
0x220: {  	v44 =	vor.u32 $0x19, v2;
	v43 =	vld.idx.msk [tilespmem:v32+s15+$0x0], $0xffff  }
0x221: {  	v45 =	vld.idx.msk [tilespmem:v36+s14+$0x0], $0xffff;
	v46 =	vmul.f32 v35, v33;
	v3 =	vadd.f32 v42, v3  }
0x222: {  	v48 =	vor.u32 $0x1A, v2;
	v47 =	vld.idx.msk [tilespmem:v36+s15+$0x0], $0xffff  }
0x223: {  	v49 =	vld.idx.msk [tilespmem:v40+s14+$0x0], $0xffff;
	v50 =	vmul.f32 v39, v37;
	v3 =	vadd.f32 v46, v3  }
0x224: {  	v52 =	vor.u32 $0x1B, v2;
	v51 =	vld.idx.msk [tilespmem:v40+s15+$0x0], $0xffff  }
0x225: {  	v53 =	vld.idx.msk [tilespmem:v44+s14+$0x0], $0xffff;
	v54 =	vmul.f32 v43, v41;
	v3 =	vadd.f32 v50, v3  }
0x226: {  	v56 =	vor.u32 $0x1C, v2;
	v55 =	vld.idx.msk [tilespmem:v44+s15+$0x0], $0xffff  }
0x227: {  	v57 =	vld.idx.msk [tilespmem:v48+s14+$0x0], $0xffff;
	v58 =	vmul.f32 v47, v45;
	v3 =	vadd.f32 v54, v3  }
0x228: {  	v60 =	vor.u32 $0x1D, v2;
	v59 =	vld.idx.msk [tilespmem:v48+s15+$0x0], $0xffff  }
0x229: {  	v61 =	vld.idx.msk [tilespmem:v52+s14+$0x0], $0xffff;
	v62 =	vmul.f32 v51, v49;
	v3 =	vadd.f32 v58, v3  }
0x22a: {  	v16 =	vor.u32 $0x1E, v2;
	v63 =	vld.idx.msk [tilespmem:v52+s15+$0x0], $0xffff  }
0x22b: {  	v17 =	vld.idx.msk [tilespmem:v56+s14+$0x0], $0xffff;
	v18 =	vmul.f32 v55, v53;
	v3 =	vadd.f32 v62, v3  }
0x22c: {  	v20 =	vor.u32 $0x1F, v2;
	v19 =	vld.idx.msk [tilespmem:v56+s15+$0x0], $0xffff  }
0x22d: {  	v21 =	vld.idx.msk [tilespmem:v60+s14+$0x0], $0xffff;
	v22 =	vmul.f32 v59, v57;
	v3 =	vadd.f32 v18, v3  }
0x22e: {  	v24 =	vor.u32 $0x20, v2;
	v23 =	vld.idx.msk [tilespmem:v60+s15+$0x0], $0xffff  }
0x22f: {  	v25 =	vld.idx.msk [tilespmem:v16+s14+$0x0], $0xffff;
	v26 =	vmul.f32 v63, v61;
	v3 =	vadd.f32 v22, v3  }
0x230: {  	v28 =	vor.u32 $0x21, v2;
	v27 =	vld.idx.msk [tilespmem:v16+s15+$0x0], $0xffff  }
0x231: {  	v29 =	vld.idx.msk [tilespmem:v20+s14+$0x0], $0xffff;
	v30 =	vmul.f32 v19, v17;
	v3 =	vadd.f32 v26, v3  }
0x232: {  	v32 =	vor.u32 $0x22, v2;
	v31 =	vld.idx.msk [tilespmem:v20+s15+$0x0], $0xffff  }
0x233: {  	v33 =	vld.idx.msk [tilespmem:v24+s14+$0x0], $0xffff;
	v34 =	vmul.f32 v23, v21;
	v3 =	vadd.f32 v30, v3  }
0x234: {  	v36 =	vor.u32 $0x23, v2;
	v35 =	vld.idx.msk [tilespmem:v24+s15+$0x0], $0xffff  }
0x235: {  	v37 =	vld.idx.msk [tilespmem:v28+s14+$0x0], $0xffff;
	v38 =	vmul.f32 v27, v25;
	v3 =	vadd.f32 v34, v3  }
0x236: {  	v40 =	vor.u32 $0x24, v2;
	v39 =	vld.idx.msk [tilespmem:v28+s15+$0x0], $0xffff  }
0x237: {  	v41 =	vld.idx.msk [tilespmem:v32+s14+$0x0], $0xffff;
	v42 =	vmul.f32 v31, v29;
	v3 =	vadd.f32 v38, v3  }
0x238: {  	v44 =	vor.u32 $0x25, v2;
	v43 =	vld.idx.msk [tilespmem:v32+s15+$0x0], $0xffff  }
0x239: {  	v45 =	vld.idx.msk [tilespmem:v36+s14+$0x0], $0xffff;
	v46 =	vmul.f32 v35, v33;
	v3 =	vadd.f32 v42, v3  }
0x23a: {  	v48 =	vor.u32 $0x26, v2;
	v47 =	vld.idx.msk [tilespmem:v36+s15+$0x0], $0xffff  }
0x23b: {  	v49 =	vld.idx.msk [tilespmem:v40+s14+$0x0], $0xffff;
	v50 =	vmul.f32 v39, v37;
	v3 =	vadd.f32 v46, v3  }
0x23c: {  	v52 =	vor.u32 $0x27, v2;
	v51 =	vld.idx.msk [tilespmem:v40+s15+$0x0], $0xffff  }
0x23d: {  	v53 =	vld.idx.msk [tilespmem:v44+s14+$0x0], $0xffff;
	v54 =	vmul.f32 v43, v41;
	v3 =	vadd.f32 v50, v3  }
0x23e: {  	v56 =	vor.u32 $0x28, v2;
	v55 =	vld.idx.msk [tilespmem:v44+s15+$0x0], $0xffff  }
0x23f: {  	v57 =	vld.idx.msk [tilespmem:v48+s14+$0x0], $0xffff;
	v58 =	vmul.f32 v47, v45;
	v3 =	vadd.f32 v54, v3  }
0x240: {  	v60 =	vor.u32 $0x29, v2;
	v59 =	vld.idx.msk [tilespmem:v48+s15+$0x0], $0xffff  }
0x241: {  	v61 =	vld.idx.msk [tilespmem:v52+s14+$0x0], $0xffff;
	v62 =	vmul.f32 v51, v49;
	v3 =	vadd.f32 v58, v3  }
0x242: {  	v16 =	vor.u32 $0x2A, v2;
	v63 =	vld.idx.msk [tilespmem:v52+s15+$0x0], $0xffff  }
0x243: {  	v17 =	vld.idx.msk [tilespmem:v56+s14+$0x0], $0xffff;
	v18 =	vmul.f32 v55, v53;
	v3 =	vadd.f32 v62, v3  }
0x244: {  	v20 =	vor.u32 $0x2B, v2;
	v19 =	vld.idx.msk [tilespmem:v56+s15+$0x0], $0xffff  }
0x245: {  	v21 =	vld.idx.msk [tilespmem:v60+s14+$0x0], $0xffff;
	v22 =	vmul.f32 v59, v57;
	v3 =	vadd.f32 v18, v3  }
0x246: {  	v24 =	vor.u32 $0x2C, v2;
	v23 =	vld.idx.msk [tilespmem:v60+s15+$0x0], $0xffff  }
0x247: {  	v25 =	vld.idx.msk [tilespmem:v16+s14+$0x0], $0xffff;
	v26 =	vmul.f32 v63, v61;
	v3 =	vadd.f32 v22, v3  }
0x248: {  	v28 =	vor.u32 $0x2D, v2;
	v27 =	vld.idx.msk [tilespmem:v16+s15+$0x0], $0xffff  }
0x249: {  	v29 =	vld.idx.msk [tilespmem:v20+s14+$0x0], $0xffff;
	v30 =	vmul.f32 v19, v17;
	v3 =	vadd.f32 v26, v3  }
0x24a: {  	v32 =	vor.u32 $0x2E, v2;
	v31 =	vld.idx.msk [tilespmem:v20+s15+$0x0], $0xffff  }
0x24b: {  	v33 =	vld.idx.msk [tilespmem:v24+s14+$0x0], $0xffff;
	v34 =	vmul.f32 v23, v21;
	v3 =	vadd.f32 v30, v3  }
0x24c: {  	v36 =	vor.u32 $0x2F, v2;
	v35 =	vld.idx.msk [tilespmem:v24+s15+$0x0], $0xffff  }
0x24d: {  	v37 =	vld.idx.msk [tilespmem:v28+s14+$0x0], $0xffff;
	v38 =	vmul.f32 v27, v25;
	v3 =	vadd.f32 v34, v3  }
0x24e: {  	v40 =	vor.u32 $0x30, v2;
	v39 =	vld.idx.msk [tilespmem:v28+s15+$0x0], $0xffff  }
0x24f: {  	v41 =	vld.idx.msk [tilespmem:v32+s14+$0x0], $0xffff;
	v42 =	vmul.f32 v31, v29;
	v3 =	vadd.f32 v38, v3  }
0x250: {  	v44 =	vor.u32 $0x31, v2;
	v43 =	vld.idx.msk [tilespmem:v32+s15+$0x0], $0xffff  }
0x251: {  	v45 =	vld.idx.msk [tilespmem:v36+s14+$0x0], $0xffff;
	v46 =	vmul.f32 v35, v33;
	v3 =	vadd.f32 v42, v3  }
0x252: {  	v48 =	vor.u32 $0x32, v2;
	v47 =	vld.idx.msk [tilespmem:v36+s15+$0x0], $0xffff  }
0x253: {  	v49 =	vld.idx.msk [tilespmem:v40+s14+$0x0], $0xffff;
	v50 =	vmul.f32 v39, v37;
	v3 =	vadd.f32 v46, v3  }
0x254: {  	v52 =	vor.u32 $0x33, v2;
	v51 =	vld.idx.msk [tilespmem:v40+s15+$0x0], $0xffff  }
0x255: {  	v53 =	vld.idx.msk [tilespmem:v44+s14+$0x0], $0xffff;
	v54 =	vmul.f32 v43, v41;
	v3 =	vadd.f32 v50, v3  }
0x256: {  	v56 =	vor.u32 $0x34, v2;
	v55 =	vld.idx.msk [tilespmem:v44+s15+$0x0], $0xffff  }
0x257: {  	v57 =	vld.idx.msk [tilespmem:v48+s14+$0x0], $0xffff;
	v58 =	vmul.f32 v47, v45;
	v3 =	vadd.f32 v54, v3  }
0x258: {  	v60 =	vor.u32 $0x35, v2;
	v59 =	vld.idx.msk [tilespmem:v48+s15+$0x0], $0xffff  }
0x259: {  	v61 =	vld.idx.msk [tilespmem:v52+s14+$0x0], $0xffff;
	v62 =	vmul.f32 v51, v49;
	v3 =	vadd.f32 v58, v3  }
0x25a: {  	v16 =	vor.u32 $0x36, v2;
	v63 =	vld.idx.msk [tilespmem:v52+s15+$0x0], $0xffff  }
0x25b: {  	v17 =	vld.idx.msk [tilespmem:v56+s14+$0x0], $0xffff;
	v18 =	vmul.f32 v55, v53;
	v3 =	vadd.f32 v62, v3  }
0x25c: {  	v20 =	vor.u32 $0x37, v2;
	v19 =	vld.idx.msk [tilespmem:v56+s15+$0x0], $0xffff  }
0x25d: {  	v21 =	vld.idx.msk [tilespmem:v60+s14+$0x0], $0xffff;
	v22 =	vmul.f32 v59, v57;
	v3 =	vadd.f32 v18, v3  }
0x25e: {  	v24 =	vor.u32 $0x38, v2;
	v23 =	vld.idx.msk [tilespmem:v60+s15+$0x0], $0xffff  }
0x25f: {  	v25 =	vld.idx.msk [tilespmem:v16+s14+$0x0], $0xffff;
	v26 =	vmul.f32 v63, v61;
	v3 =	vadd.f32 v22, v3  }
0x260: {  	v28 =	vor.u32 $0x39, v2;
	v27 =	vld.idx.msk [tilespmem:v16+s15+$0x0], $0xffff  }
0x261: {  	v29 =	vld.idx.msk [tilespmem:v20+s14+$0x0], $0xffff;
	v30 =	vmul.f32 v19, v17;
	v3 =	vadd.f32 v26, v3  }
0x262: {  	v32 =	vor.u32 $0x3A, v2;
	v31 =	vld.idx.msk [tilespmem:v20+s15+$0x0], $0xffff  }
0x263: {  	v33 =	vld.idx.msk [tilespmem:v24+s14+$0x0], $0xffff;
	v34 =	vmul.f32 v23, v21;
	v3 =	vadd.f32 v30, v3  }
0x264: {  	v36 =	vor.u32 $0x3B, v2;
	v35 =	vld.idx.msk [tilespmem:v24+s15+$0x0], $0xffff  }
0x265: {  	v37 =	vld.idx.msk [tilespmem:v28+s14+$0x0], $0xffff;
	v38 =	vmul.f32 v27, v25;
	v3 =	vadd.f32 v34, v3  }
0x266: {  	v40 =	vor.u32 $0x3C, v2;
	v39 =	vld.idx.msk [tilespmem:v28+s15+$0x0], $0xffff  }
0x267: {  	v41 =	vld.idx.msk [tilespmem:v32+s14+$0x0], $0xffff;
	v42 =	vmul.f32 v31, v29;
	v3 =	vadd.f32 v38, v3  }
0x268: {  	v44 =	vor.u32 $0x3D, v2;
	v43 =	vld.idx.msk [tilespmem:v32+s15+$0x0], $0xffff  }
0x269: {  	v45 =	vld.idx.msk [tilespmem:v36+s14+$0x0], $0xffff;
	v46 =	vmul.f32 v35, v33;
	v3 =	vadd.f32 v42, v3  }
0x26a: {  	v48 =	vor.u32 $0x3E, v2;
	v47 =	vld.idx.msk [tilespmem:v36+s15+$0x0], $0xffff  }
0x26b: {  	v49 =	vld.idx.msk [tilespmem:v40+s14+$0x0], $0xffff;
	v50 =	vmul.f32 v39, v37;
	v3 =	vadd.f32 v46, v3  }
0x26c: {  	v2 =	vor.u32 $0x3F, v2;
	v51 =	vld.idx.msk [tilespmem:v40+s15+$0x0], $0xffff  }
0x26d: {  	v52 =	vld.idx.msk [tilespmem:v44+s14+$0x0], $0xffff;
	v53 =	vmul.f32 v43, v41;
	v3 =	vadd.f32 v50, v3  }
0x26e: {  	v54 =	vld.idx.msk [tilespmem:v44+s15+$0x0], $0xffff  }
0x26f: {  	v55 =	vld.idx.msk [tilespmem:v48+s14+$0x0], $0xffff;
	v56 =	vmul.f32 v47, v45;
	v3 =	vadd.f32 v53, v3  }
0x270: {  	v57 =	vld.idx.msk [tilespmem:v48+s15+$0x0], $0xffff  }
0x271: {  	v59 =	vmul.f32 v51, v49;
	v58 =	vld.idx.msk [tilespmem:v2+s14+$0x0], $0xffff;
	v3 =	vadd.f32 v56, v3  }
0x272: {  	v2 =	vld.idx.msk [tilespmem:v2+s15+$0x0], $0xffff  }
0x273: {  	v60 =	vmul.f32 v54, v52;
	v3 =	vadd.f32 v59, v3;
	_ =	sdelay $0x1  }
0x274: {  	s20 =	sadd.s32 $0x10, s20;
	v61 =	vmul.f32 v57, v55;
	v3 =	vadd.f32 v60, v3  }
0x275: {  	v62 =	vld [tilespmem:s20+$0x0]  }
0x276: {  	s30 =	sadd.s32 $0x10, s21;
	v2 =	vmul.f32 v2, v58;
	v3 =	vadd.f32 v61, v3  }
0x277: {  	v63 =	vld [tilespmem:s30+$0x0]  }
0x278: {  	v2 =	vadd.f32 v2, v3;
	_ =	sdelay $0x1  }
0x279: {  	v2 =	vadd.f32 v2, v62;
	_ =	sdelay $0x1  }
0x27a: {  	v2 =	vadd.f32 v2, v63;
	_ =	sdelay $0x1  }
0x27b: {  	v1 =	vadd.f32 v2, v1;
	_ =	sdelay $0x1  }
0x27c: {  	v1 =	vsub.f32 $0.0e+00, v1;
	_ =	sdelay $0x1  }
0x27d: {  	v1 =	vmul.f32 $1.442695020e+00, v1;
	_ =	sdelay $0x1  }
0x27e: {  	(erf) = vpow2.f32 v1;
	_ =	sdelay $0x8  }
0x27f: {  	v1 =	vpop (erf)  }
0x280: {  	v1 =	vadd.f32 $1.000000000e+00, v1;
	_ =	sdelay $0x1  }
0x281: {  	(erf) = vrcp.f32 v1;
	_ =	sdelay $0x7  }
0x282: {  	s19 =	sadd.s32 $0x1, s19  }
0x283: {  	s31 =	sadd.s32 $0x10, s22;
	p0 =	sne.s32 s19, s11;
	v1 =	vpop (erf)  }
.Ltmp1:
0x284: {  	[tilespmem:s31+$0x0] =	vst v1;
	(pc) =	sbr.rel @p0 .LBB2_1-.Ltmp1, $4  }
0x285: {  	[hbm4b:s10+s2] =	stream.linear.scatter [tilespmem:s18], [sflag:$0x2], $0x200, $0x38;
	[tilespmem:$0x10A10] =	vst v63  }
0x286: {  	_ =	swait.ge [sflag:s12], $0x200  }
0x287: {  	[sflag:s12] =	ssyncset.done $0x0  }
0x288: {  	[sflag:s12] =	ssyncadd.s32 $0xFFFFFE00  }
0x289: {  	_ =	sfence.sel $0x180000  }
0x28a: {  	[bflag:$0x0] =	sbarrier.arrive $0xFFFF  }
0x28b: {  	p0 =	sne.s32 s3, $0x0;
	_ =	strace $0x90000047  }
0x28c: {  	s0 =	sadd.s32 @!p0 $0x100000, s0;
	[bflag:$0x2] =	sbarrier.arrive $0xFFFF  }
0x28d: {  	[sflag:s0] =	ssyncadd.tile.s32 @!p0 $0x1;
	_ =	shalt  }
.Lfunc_end2:
_tile_overlayer_lowered:
.L_overlay_start_2:
0x28e: {  	(tag) =	ssettag $0x2  }
0x28f: {  	s0 =	rddreg [dreg:$0x0];
	s2 =	stileid.u32  }
0x290: {  	s1 =	rddreg [dreg:$0x1];
	p0 =	sne.s32 s2, $0x0  }
0x291: {  	s3 =	rddreg [dreg:$0x2];
	[bflag:$0x3] =	sbarrier.arrive $0xFFFF;
	s2 =	simm.s32 @!p0 $0x1C02  }
0x292: {  	[timem:s3], [sflag:s2] =	dma.local @!p0 [hbm:s0], s1  }
0x293: {  	s0 =	simm.s32 @!p0 $0x2  }
0x294: {  	_ =	swait.ge @!p0 [sflag:s0], s1  }
0x295: {  	s1 =	ssub.s32 @!p0 $0x0, s1;
	[sflag:s0] =	ssyncset.done @!p0 $0x0  }
0x296: {  	[sflag:s0] =	ssyncadd.s32 @!p0 s1  }
0x297: {  	[bflag:$0x3] =	sbarrier.arrive $0xFFFF  }
0x298: {  	_ =	shalt  }

</sc_bundles>
